<compile_context>
chip_gen: v7x
topology: tpu7x:2x2x1
jax: 0.10.2.dev20260603
libtpu: 0.0.44.dev20260713+nightly
codegen_flags: <defaults>
</compile_context>

<pallas_src>
import jax
import jax.numpy as jnp
from jax.experimental import pallas as pl

K = 40


def _layer(x, Ws, bs, Wh, bh, Wa, Wb, bb):
    s = x @ Ws.T + bs
    h = x @ Wh.T + bh
    sq = jnp.sum(s * s, axis=1)
    d2 = sq[:, None] + sq[None, :] - 2.0 * (s @ s.T)
    idx = jax.lax.top_k(-d2, K)[1]
    gd = jnp.maximum(jnp.take_along_axis(d2, idx, axis=1), 0.0)
    w = jnp.exp(-10.0 * gd)
    msg = jnp.take(h, idx, axis=0) * w[:, :, None]
    mean_agg = jnp.mean(msg, axis=1)
    max_agg = jnp.max(msg, axis=1)
    agg = jnp.concatenate([mean_agg, max_agg], axis=1)
    return x @ Wa.T + agg @ Wb.T + bb


def _out_kernel(cat_ref, w_ref, b_ref, o_ref):
    o_ref[...] = jnp.maximum(
        jnp.dot(cat_ref[...], w_ref[...],
                preferred_element_type=jnp.float32) + b_ref[...],
        0.0,
    )


def kernel(x, batch,
           Ws1, bs1, Wh1, bh1, Wa1, Wb1, bb1,
           Ws2, bs2, Wh2, bh2, Wa2, Wb2, bb2,
           Ws3, bs3, Wh3, bh3, Wa3, Wb3, bb3,
           Ws4, bs4, Wh4, bh4, Wa4, Wb4, bb4,
           Wout, bout):
    x1 = _layer(x, Ws1, bs1, Wh1, bh1, Wa1, Wb1, bb1)
    x2 = _layer(x1, Ws2, bs2, Wh2, bh2, Wa2, Wb2, bb2)
    x3 = _layer(x2, Ws3, bs3, Wh3, bh3, Wa3, Wb3, bb3)
    x4 = _layer(x3, Ws4, bs4, Wh4, bh4, Wa4, Wb4, bb4)
    cat = jnp.concatenate([x1, x2, x3, x4], axis=1)
    N = cat.shape[0]
    out = pl.pallas_call(
        _out_kernel,
        out_shape=jax.ShapeDtypeStruct((N, Wout.shape[0]), jnp.float32),
    )(cat, Wout.T, bout[None, :])
    return out

# --- scband reference (transcript-rebuilt; emitter-appended) ---
"""Pipeline reference for scband-simple-grav-net-31516470018050 (READ-ONLY COPY).

The authoritative reference and input builder live on the scoring server;
editing this copy changes nothing except your own understanding.
"""

import jax, jax.numpy as jnp
import numpy as np

K = 40
_DIMS = [(128, 36), (36, 36), (36, 48), (48, 48)]


def _gravnet_layer(x, Ws, bs, Wh, bh, Wa, Wb, bb):
    # learned space coords and propagate features (PyG GravNetConv semantics)
    s = x @ Ws.T + bs              # [N, 4]
    h = x @ Wh.T + bh              # [N, 22]
    sq = jnp.sum(s * s, axis=1)
    d2 = sq[:, None] + sq[None, :] - 2.0 * (s @ s.T)   # [N, N] squared dists
    idx = jax.lax.top_k(-d2, K)[1]                     # k nearest (incl. self)
    gd = jnp.maximum(jnp.take_along_axis(d2, idx, axis=1), 0.0)  # [N, K]
    w = jnp.exp(-10.0 * gd)                            # gaussian edge weights
    msg = jnp.take(h, idx, axis=0) * w[:, :, None]     # [N, K, 22]
    mean_agg = jnp.mean(msg, axis=1)
    max_agg = jnp.max(msg, axis=1)
    agg = jnp.concatenate([mean_agg, max_agg], axis=1)  # [N, 44]
    return x @ Wa.T + agg @ Wb.T + bb                   # lin_out1(x)+lin_out2(agg)


def setup_inputs(seed: int = 0):
    key = jax.random.key(seed)
    N = 10000
    out_features = 128
    inp = {}
    k0, key = jax.random.split(key)
    inp['x'] = jax.random.normal(k0, (N, _DIMS[0][0]), dtype=jnp.float32)
    inp['batch'] = jnp.zeros((N,), dtype=jnp.int32)  # unused second forward arg
    for li, (cin, cout) in enumerate(_DIMS, start=1):
        k1, k2, k3, k4, key = jax.random.split(key, 5)
        inp['Ws%d' % li] = jax.random.normal(k1, (4, cin), dtype=jnp.float32) * 0.1
        inp['bs%d' % li] = jnp.zeros((4,), jnp.float32)
        inp['Wh%d' % li] = jax.random.normal(k2, (22, cin), dtype=jnp.float32) * 0.1
        inp['bh%d' % li] = jnp.zeros((22,), jnp.float32)
        inp['Wa%d' % li] = jax.random.normal(k3, (cout, cin), dtype=jnp.float32) * 0.1
        inp['Wb%d' % li] = jax.random.normal(k4, (cout, 44), dtype=jnp.float32) * 0.1
        inp['bb%d' % li] = jnp.zeros((cout,), jnp.float32)
    k5, key = jax.random.split(key)
    inp['Wout'] = jax.random.normal(k5, (out_features, 36 + 36 + 48 + 48), dtype=jnp.float32) * 0.1
    inp['bout'] = jnp.zeros((out_features,), jnp.float32)
    return inp


def reference(x, batch,
              Ws1, bs1, Wh1, bh1, Wa1, Wb1, bb1,
              Ws2, bs2, Wh2, bh2, Wa2, Wb2, bb2,
              Ws3, bs3, Wh3, bh3, Wa3, Wb3, bb3,
              Ws4, bs4, Wh4, bh4, Wa4, Wb4, bb4,
              Wout, bout):
    x1 = _gravnet_layer(x, Ws1, bs1, Wh1, bh1, Wa1, Wb1, bb1)
    x2 = _gravnet_layer(x1, Ws2, bs2, Wh2, bh2, Wa2, Wb2, bb2)
    x3 = _gravnet_layer(x2, Ws3, bs3, Wh3, bh3, Wa3, Wb3, bb3)
    x4 = _gravnet_layer(x3, Ws4, bs4, Wh4, bh4, Wa4, Wb4, bb4)
    cat = jnp.concatenate([x1, x2, x3, x4], axis=1)
    return jax.nn.relu(cat @ Wout.T + bout)

if __name__ == "__main__":
    import jax
    _d = setup_inputs()
    print(jax.jit(kernel)(*tuple(_d.values())))

</pallas_src>

<mosaic_0001>
module attributes {stable_mosaic.version = 14 : i64} {
  func.func @_out_kernel(%arg0: memref<10000x168xf32, #tpu.memory_space<vmem>>, %arg1: memref<168x128xf32, #tpu.memory_space<vmem>>, %arg2: memref<1x128xf32, #tpu.memory_space<vmem>>, %arg3: memref<10000x128xf32, #tpu.memory_space<vmem>>) attributes {dimension_semantics = [], scalar_prefetch = 0 : i64, scratch_operands = 0 : i64, tpu.core_type = #tpu.core_type<tc>} {
    %get3A = arith.constant 0 : index
    %get3A_0 = arith.constant 0 : index
    %get3A_1 = vector.load %arg0[%get3A, %get3A_0] : memref<10000x168xf32, #tpu.memory_space<vmem>>, vector<10000x168xf32>
    %get3A_2 = arith.constant 0 : index
    %get3A_3 = arith.constant 0 : index
    %get3A_4 = vector.load %arg1[%get3A_2, %get3A_3] : memref<168x128xf32, #tpu.memory_space<vmem>>, vector<168x128xf32>
    %dot_general3A = arith.constant dense<0.000000e+00> : vector<10000x128xf32>
    %dot_general3A_5 = tpu.matmul %get3A_1, %get3A_4, %dot_general3A {dimension_numbers = #tpu.dot_dimension_numbers<[1], [0], [0], [1], [0, 0, 1, 1], [], []>, transpose_lhs_hint = false} : vector<10000x168xf32>, vector<168x128xf32>, vector<10000x128xf32> -> vector<10000x128xf32>
    %get3A_6 = arith.constant 0 : index
    %get3A_7 = arith.constant 0 : index
    %get3A_8 = vector.load %arg2[%get3A_6, %get3A_7] : memref<1x128xf32, #tpu.memory_space<vmem>>, vector<1x128xf32>
    %add3A = vector.broadcast %get3A_8 : vector<1x128xf32> to vector<10000x128xf32>
    %add3A_9 = arith.addf %dot_general3A_5, %add3A : vector<10000x128xf32>
    %max3A = arith.constant 0.000000e+00 : f32
    %max3A_10 = vector.broadcast %max3A : f32 to vector<10000x128xf32>
    %max3A_11 = arith.maximumf %add3A_9, %max3A_10 : vector<10000x128xf32>
    %swap3A = arith.constant 0 : index
    %swap3A_12 = arith.constant 0 : index
    %swap3A_13 = vector.load %arg3[%swap3A, %swap3A_12] : memref<10000x128xf32, #tpu.memory_space<vmem>>, vector<10000x128xf32>
    tpu.vector_store %arg3[%swap3A, %swap3A_12], %max3A_11 {strides = array<i32>} : memref<10000x128xf32, #tpu.memory_space<vmem>>, vector<10000x128xf32>,
    return
  }
}

</mosaic_0001>

<sc_bundles>
// kernel: gather_offload_async_start.1
scs
__scs_entry_jumppad:
0x0: {  	(pc) =	sbr.rel $0x88, $3  }
0x1: {  	(tag) =	ssettag $0x0;
	lr =	simm.s32 $0x1  }
0x2: {  	[smem:$0x3F82] =	sst lr;
	_ =	strace $0xD0000000  }
0x3: {  	_ = 	snop  }
0x4: {  	_ = 	snop  }
0x5: {  	_ = 	snop  }
0x6: {  	_ = 	snop  }
0x7: {  	_ = 	snop  }
__scs_overlays_trampoline_lowered:
0x8: {  	[smem:$0x3F91] =	sst s0  }
0x9: {  	[smem:$0x3F92] =	sst s1  }
0xa: {  	[smem:$0x3F93] =	sst s2  }
0xb: {  	[smem:$0x3F94] =	sst s3  }
0xc: {  	[smem:$0x3F95] =	sst s4  }
0xd: {  	[smem:$0x3F96] =	sst s5  }
0xe: {  	[smem:$0x3F97] =	sst s6  }
0xf: {  	[smem:$0x3F98] =	sst s7  }
0x10: {  	[smem:$0x3F99] =	sst s8  }
0x11: {  	[smem:$0x3F9A] =	sst s9;
	s0 =	simm.s32 @!p0 $0x0  }
0x12: {  	s1 =	sld [smem:$0x3F80];
	s0 =	simm.s32 @p0 $0x1  }
0x13: {  	[smem:$0x3F9B] =	sst s0;
	s0 =	simm.s32 @!p1 $0x0  }
0x14: {  	s2 =	sld [smem:$0x3F7F];
	s0 =	simm.s32 @p1 $0x1  }
0x15: {  	[smem:$0x3F9C] =	sst s0;
	s0 =	simm.s32 @!p2 $0x0  }
0x16: {  	s3 =	sld [smem:$0x3FDB];
	s0 =	simm.s32 @p2 $0x1  }
0x17: {  	s4 =	simm.s32 $0x1BF5;
	[smem:$0x3F9E] =	sst s0  }
0x18: {  	s0 =	sld [smem:$0x3F81];
	_ =	swait.ge [sflag:s4], $0x0  }
0x19: {  	s7 =	sld [smem:$0x3F82]  }
0x1a: {  	s8 =	sadd.s32 $0xFFFFE003, lr  }
0x1b: {  	s9 =	sadd.s32 $0xFFFFFEF7, lr;
	s5 =	simm.s32 $0xFFFFFFFF;
	p2 =	slt.u32 s8, $0xFFFFF086  }
0x1c: {  	p1 =	slt.u32 s9, $0xF7A;
	s5 =	simm.s32 @!p2 $0x0  }
0x1d: {  	s5 =	simm.s32 @p1 $0x1;
	p0 =	seq.s32 s7, s2  }
0x1e: {  	s7 =	smul.u32 @!p0 $0xF7A, s2;
	p2 =	seq.s32 @!p0 s5, $0x0  }
0x1f: {  	s9 =	smul.u32 $0xF7A, s1;
	s8 =	simm.s32 @!p0 $0x1BF5;
	p2 =	por !p2, p0  }
0x20: {  	[sflag:s8] =	ssyncset.s32 @!p0 $0xFFFFF086;
	s6 =	sadd.s32 @!p0 s3, s7;
	s7 =	simm.s32 @!p0 $0x108  }
0x21: {  	s3 =	sadd.s32 s3, s9;
	s6 =	sadd.s32 @!p0 $0x88, s6;
	s7 =	simm.s32 @p2 $0x1082  }
0x22: {  	[simem:s7], [sflag:s8] =	dma.local @!p0 [hbm:s6], $0xF7A  }
0x23: {  	s9 =	sor.u32 $0xD0000000, s2;
	s6 =	simm.s32 $0x108;
	_ =	swait.ge @!p0 [sflag:s8], $0x0  }
0x24: {  	s3 =	sadd.s32 $0x88, s3;
	s6 =	simm.s32 @!p1 $0x1082;
	[sflag:s4] =	ssyncset.s32 $0xFFFFF086  }
0x25: {  	[simem:s6], [sflag:s4] =	dma.local [hbm:s3], $0xF7A  }
0x26: {  	[smem:$0x3F82] =	sst s1;
	(tag) =	ssettag s2;
	_ =	strace s9  }
0x27: {  	s1 =	sld [smem:$0x3F92]  }
0x28: {  	s2 =	sld [smem:$0x3F93]  }
0x29: {  	s4 =	sld [smem:$0x3F95]  }
0x2a: {  	p0 =	seq.s32 s5, $0x0;
	s5 =	sld [smem:$0x3F96]  }
0x2b: {  	s6 =	sld [smem:$0x3F97]  }
0x2c: {  	s7 =	sld [smem:$0x3F98]  }
0x2d: {  	s3 =	simm.s32 $0x108;
	s8 =	sld [smem:$0x3F99]  }
0x2e: {  	s3 =	simm.s32 @!p0 $0x1082;
	s9 =	sld [smem:$0x3F9A]  }
0x2f: {  	lr =	sadd.s32 s0, s3;
	s0 =	sld [smem:$0x3F91]  }
0x30: {  	s3 =	sld [smem:$0x3F94]  }
0x31: {  	[smem:$0x3F9D] =	sst s10  }
0x32: {  	s10 =	sld [smem:$0x3F9B];
	_ =	sdelay $0x3  }
0x33: {  	p0 =	seq.s32 s10, $0x1;
	s10 =	sld [smem:$0x3F9D];
	_ =	sdelay $0x3  }
0x34: {  	[smem:$0x3F9D] =	sst s10  }
0x35: {  	s10 =	sld [smem:$0x3F9C];
	_ =	sdelay $0x3  }
0x36: {  	p1 =	seq.s32 s10, $0x1;
	s10 =	sld [smem:$0x3F9D];
	_ =	sdelay $0x3  }
0x37: {  	[smem:$0x3F9D] =	sst s10  }
0x38: {  	s10 =	sld [smem:$0x3F9E]  }
0x39: {  	_ = 	snop;
	(pc) =	sbr.ind lr, $3  }
0x3a: {  	_ = 	snop  }
0x3b: {  	_ = 	snop  }
0x3c: {  	p2 =	seq.s32 s10, $0x1;
	s10 =	sld [smem:$0x3F9D]  }
0x3d: {  	_ =	shalt  }
0x3e: {  	_ =	shalt  }
0x3f: {  	_ =	shalt  }
0x40: {  	_ =	shalt  }
0x41: {  	_ =	shalt  }
0x42: {  	_ =	shalt  }
0x43: {  	_ =	shalt  }
0x44: {  	_ =	shalt  }
0x45: {  	_ =	shalt  }
0x46: {  	_ =	shalt  }
0x47: {  	_ =	shalt  }
0x48: {  	_ =	shalt  }
0x49: {  	_ =	shalt  }
0x4a: {  	_ =	shalt  }
0x4b: {  	_ =	shalt  }
0x4c: {  	_ =	shalt  }
0x4d: {  	_ =	shalt  }
0x4e: {  	_ =	shalt  }
0x4f: {  	_ =	shalt  }
0x50: {  	_ =	shalt  }
0x51: {  	_ =	shalt  }
0x52: {  	_ =	shalt  }
0x53: {  	_ =	shalt  }
0x54: {  	_ =	shalt  }
0x55: {  	_ =	shalt  }
0x56: {  	_ =	shalt  }
0x57: {  	_ =	shalt  }
0x58: {  	_ =	shalt  }
0x59: {  	_ =	shalt  }
0x5a: {  	_ =	shalt  }
0x5b: {  	_ =	shalt  }
0x5c: {  	_ =	shalt  }
0x5d: {  	_ =	shalt  }
0x5e: {  	_ =	shalt  }
0x5f: {  	_ =	shalt  }
0x60: {  	_ =	shalt  }
0x61: {  	_ =	shalt  }
0x62: {  	_ =	shalt  }
0x63: {  	_ =	shalt  }
0x64: {  	_ =	shalt  }
0x65: {  	_ =	shalt  }
0x66: {  	_ =	shalt  }
0x67: {  	_ =	shalt  }
0x68: {  	_ =	shalt  }
0x69: {  	_ =	shalt  }
0x6a: {  	_ =	shalt  }
0x6b: {  	_ =	shalt  }
0x6c: {  	_ =	shalt  }
0x6d: {  	_ =	shalt  }
0x6e: {  	_ =	shalt  }
0x6f: {  	_ =	shalt  }
0x70: {  	_ =	shalt  }
0x71: {  	_ =	shalt  }
0x72: {  	_ =	shalt  }
0x73: {  	_ =	shalt  }
0x74: {  	_ =	shalt  }
0x75: {  	_ =	shalt  }
0x76: {  	_ =	shalt  }
0x77: {  	_ =	shalt  }
0x78: {  	_ =	shalt  }
0x79: {  	_ =	shalt  }
0x7a: {  	_ =	shalt  }
0x7b: {  	_ =	shalt  }
0x7c: {  	_ =	shalt  }
0x7d: {  	_ =	shalt  }
0x7e: {  	_ =	shalt  }
0x7f: {  	_ =	shalt  }
0x80: {  	_ =	shalt  }
0x81: {  	_ =	shalt  }
0x82: {  	_ =	shalt  }
0x83: {  	_ =	shalt  }
0x84: {  	_ =	shalt  }
0x85: {  	_ =	shalt  }
0x86: {  	_ =	shalt  }
0x87: {  	_ =	shalt  }
.Lfunc_end0:
.L_simem_size_0:
called_computation.1_lowered:
.L_overlay_start_0:
0x88: {  	s2 =	sld [smem:$0x3FD9]  }
0x89: {  	s3 =	sld [smem:$0x3FFE];
	_ =	sdelay $0x1  }
0x8a: {  	s1 =	srdreg.scid  }
0x8b: {  	s0 =	sand.u32 $0x1, s1  }
0x8c: {  	s16 =	sshll.u32 s0, $0xA;
	s2 =	sadd.s32 s3, s2  }
0x8d: {  	s2 =	sadd.s32 s2, s16  }
0x8e: {  	[smem:$0x3FA9] =	sst s2  }
0x8f: {  	_ = 	snop  }
0x90: {  	(tm) =	ssettm $0x1  }
0x91: {  	s17 =	sld [smem:$0x3FFB];
	_ =	sdelay $0x3  }
0x92: {  	_ =	strace s17  }
0x93: {  	s2 =	sld [smem:$0x3FFC];
	_ =	sdelay $0x3  }
0x94: {  	_ =	strace s2  }
0x95: {  	s2 =	sld [smem:$0x3FFD];
	_ =	sdelay $0x3  }
0x96: {  	_ =	strace s2  }
0x97: {  	_ =	strace $0x8FFFFFFF  }
0x98: {  	s18 =	sld [smem:$0x3FDB];
	_ =	sdelay $0x1  }
0x99: {  	s19 =	simm.s32 $_scs_section_size  }
0x9a: {  	s4 =	simm.s32 $_size__tile_overlayer_lowered;
	s5 =	simm.s32 $_tile_overlayer_lowered  }
0x9b: {  	s22 =	simm.s32 $0x1BFF;
	s21 =	sshll.u32 s5, $0x1;
	s2 =	sadd.s32 s19, s18  }
0x9c: {  	s6 =	simm.s32 $0x0;
	s20 =	sshll.u32 s4, $0x1;
	s4 =	sadd.s32 s21, s2  }
0x9d: {  	[timem:s6], [sflag:s22] =	dma.local [hbm:s4], s20  }
0x9e: {  	_ =	swait.ge [sflag:s22], s20  }
0x9f: {  	s3 =	ssub.s32 $0x0, s20;
	[sflag:s22] =	ssyncset.done $0x0  }
0xa0: {  	[sflag:s22] =	ssyncadd.s32 s3;
	_ =	sdelay $0x1  }
0xa1: {  	s23 =	simm.s32 $0x1B8B  }
0xa2: {  	_ =	swait.ge [sflag:s23], $0x1  }
0xa3: {  	[sflag:s23] =	ssyncset.done $0x0  }
0xa4: {  	s25 =	simm.s32 $0x1B8E;
	s24 =	sld [smem:$0x3FFE];
	[sflag:s23] =	ssyncadd.s32 $0xFFFFFFFF  }
0xa5: {  	s26 =	simm.s32 $execute0_lowered;
	[smem:$0x3FD2] =	sst s25  }
0xa6: {  	s4 =	sshll.u32 s26, $0x1;
	_ =	strace $0x80000049;
	[dreg:$0x1] =	wrdreg $0xFFFFFFFF  }
0xa7: {  	s28 =	simm.s32 $_size_execute0_lowered;
	s2 =	sadd.s32 s2, s4;
	[dreg:$0x0] =	wrdreg $0x0  }
0xa8: {  	s4 =	sshll.u32 s28, $0x1;
	[dreg:$0x2] =	wrdreg s2  }
0xa9: {  	[dreg:$0x3] =	wrdreg s4  }
0xaa: {  	[dreg:$0x4] =	wrdreg $0xC0  }
0xab: {  	_ =	task [dreg:s6], $0x5FFFF  }
0xac: {  	[dreg:$0x1] =	wrdreg $0xFFFFFFFF  }
0xad: {  	[dreg:$0x0] =	wrdreg $0x60  }
0xae: {  	[dreg:$0x2] =	wrdreg s24  }
0xaf: {  	[dreg:$0x3] =	wrdreg $0x9  }
0xb0: {  	_ =	task.clear_ibuf [dreg:s6], $0x4FFFF;
	_ =	strace $0x90000049  }
0xb1: {  	s29 =	simm.s32 $0x9;
	_ =	strace $0x8000004B  }
0xb2: {  	_ =	swait.ge [sflag:s29], $0x1  }
0xb3: {  	[sflag:s29] =	ssyncadd.s32 $0xFFFFFFFF  }
0xb4: {  	_ =	strace $0x9000004B  }
0xb5: {  	_ =	sfence  }
0xb6: {  	s30 =	sld [smem:$0x0];
	_ =	sdelay $0x2  }
0xb7: {  	s31 =	sshll.u32 s1, $0xD;
	s1 =	sshrl.u32 s1, $0x2  }
0xb8: {  	s3 =	sand.u32 $0x4000, s31;
	s1 =	sadd.s32 s1, s30  }
0xb9: {  	s0 =	sor.u32 s3, s0;
	s1 =	sshll.u32 s1, $0x11  }
0xba: {  	s0 =	sor.u32 s1, s0  }
0xbb: {  	s0 =	sadd.s32 $0x8F2B, s0  }
0xbc: {  	[sflag:s0] =	ssyncadd.remote.s32 $0x1  }
0xbd: {  	_ =	sfence.sel $0xFFFF  }
0xbe: {  	[dreg:$0x0] =	wrdreg $0xFFFFFFFF;
	(pc) =	sbr.abs _section_cstart, $3  }
0xbf: {  	[dreg:$0x1] =	wrdreg $0xFFFFFFFF  }
0xc0: {  	_ =	task.clear_ibuf [dreg:s6], $0x2FFFF;
	_ =	strace $0x9FFFFFFF  }
0xc1: {  	(tm) =	ssettm $0x7FFFFFFF  }
tec
execute0_lowered:
.L_overlay_start_1:
0x0: {  	(tag) =	ssettag $0x1  }
0x1: {  	s8 =	rddreg [dreg:$0x0];
	s1 =	stileid.u32  }
0x2: {  	s2 =	srdreg.scid;
	s0 =	rddreg [dreg:$0x1]  }
0x3: {  	_ =	strace $0x8000004A;
	s5 =	simm.s32 $0x1;
	s9 =	simm.s32 $0x1  }
0x4: {  	s10 =	simm.s32 $0x3;
	s2 =	sand.u32 $0x1, s2;
	s3 =	sshll.u32 s1, $0x1  }
0x5: {  	s13 =	simm.s32 $0x0;
	s12 =	simm.s32 $0x0;
	s6 =	sor.u32 s3, s2  }
0x6: {  	[sflag:s5] =	ssyncpa.u1 $0x0;
	s2 =	sadd.s32 $0x1600, s8;
	s4 =	smul.u32 $0x2710, s6  }
0x7: {  	s3 =	sadd.s32 $0xC36800, s8;
	p0 =	slt.u32 s6, $0x9;
	s6 =	simm.s32 $0x4E200  }
.Ltmp0:
0x8: {  	s6 =	simm.s32 @!p0 $0x0;
	s7 =	ssub.s32 $0x61A80, s4;
	(pc) =	sbr.rel .LBB2_1-.Ltmp0, $4  }
0x9: {  	s9 =	simm.s32 @!p0 $0x0;
	p0 =	sne.s32 s7, s6;
	s7 =	simm.s32 $0x1  }
0xa: {  	s8 =	sadd.s32 $0xC9D400, s8;
	s6 =	simm.s32 $0x2;
	s7 =	simm.s32 @!p0 $0x0  }
0xb: {  	s11 =	smov.u32 s4;
	[sflag:s6] =	ssyncpa.u1 $0x0;
	s7 =	sadd.s32 s9, s7  }
0xc: {  	vm0 =	vmmov $0xffff;
	[sflag:s10] =	ssyncpa.u1 $0x0;
	s10 =	simm.s32 $0x0;
	s9 =	sadd.s32 $0x1, s7  }
.LBB2_4:
0xd: {  	vm1 =	veq.s32 v4, $0x80000000;
	v56 =	vand.u32 $0x3FFF, v4;
	v6 =	vand.u32 $0x3FFF, v6  }
0xe: {  	v2 =	vor.u32 v2, v5;
	v59 =	vshrl.u32 v1, $0xE;
	v60 =	vand.u32 $0x3FFF, v1  }
0xf: {  	v4 =	vsel vm1, $0xFFFFFFFF, v56;
	v6 =	vsel vm1, $0xFFFFFFFF, v6;
	v2 =	vor.u32 v3, v2  }
0x10: {  	vm1 =	veq.s32 v1, $0x80000000;
	v5 =	vand.u32 $0x3FFF, v59;
	v7 =	vshrl.u32 v4, $0x3  }
0x11: {  	v57 =	vshll.u32 v6, $0x3;
	v4 =	vshll.u32 v4, $0x7;
	v1 =	vsel vm1, $0xFFFFFFFF, v60  }
0x12: {  	v5 =	vsel vm1, $0xFFFFFFFF, v5;
	v6 =	vand.u32 $0x7F, v6;
	v7 =	vmul.u32 $0x13C00, v7  }
0x13: {  	v58 =	vand.u32 $0xFFFFFC00, v57;
	v4 =	vand.u32 $0x380, v4;
	v61 =	vshrl.u32 v1, $0x3  }
0x14: {  	v62 =	vshll.u32 v5, $0x3;
	v3 =	vadd.s32 v7, v58;
	v7 =	vmul.u32 $0x13C00, v61  }
0x15: {  	v1 =	vshll.u32 v1, $0x7;
	v3 =	vor.u32 v4, v3;
	v4 =	vand.u32 $0xFFFFFC00, v62  }
0x16: {  	v1 =	vand.u32 $0x380, v1;
	v3 =	vor.u32 v6, v3;
	v4 =	vadd.s32 v7, v4  }
0x17: {  	[tilespmem:s16], [sflag:$0x1] =	stream.indirect_vreg.gather [hbm4b:s2+s10], $0x1, v0, vm0, $0x4038;
	v63 =	vand.u32 $0x7F, v5;
	v1 =	vor.u32 v1, v4;
	[tilespmem:$0x9C40] =	vst v63  }
0x18: {  	s15 =	sadd.s32 $0x10, s15;
	(ifvalue) =	ssetifvalue $0x7FFFFFFF;
	v0 =	vor.u32 v63, v1  }
0x19: {  	[tilespmem:s15], [sflag:$0x1] =	stream.indirect_vreg.gather [hbm4b:s2+s10], $0x1, v2, vm0, $0x4038;
	[tilespmem:$0x9C40] =	vst v63  }
0x1a: {  	s15 =	sadd.s32 $0x10, s15;
	(ifvalue) =	ssetifvalue $0x7FFFFFFF  }
0x1b: {  	[tilespmem:s15], [sflag:$0x1] =	stream.indirect_vreg.gather [hbm4b:s2+s10], $0x1, v3, vm0, $0x4038;
	[tilespmem:$0x9C40] =	vst v63  }
0x1c: {  	s15 =	sadd.s32 $0x10, s15;
	(ifvalue) =	ssetifvalue $0x7FFFFFFF  }
0x1d: {  	[tilespmem:s15], [sflag:$0x1] =	stream.indirect_vreg.gather [hbm4b:s2+s10], $0x1, v0, vm0, $0x4038;
	[tilespmem:$0x9C40] =	vst v63  }
0x1e: {  	_ =	swait.ge [sflag:s5], $0x2710  }
0x1f: {  	s30 =	sshrl.u32 s13, $0x3;
	[sflag:s5] =	ssyncset.done $0x0  }
0x20: {  	s31 =	sand.u32 $0x7, s13;
	s15 =	sadd.s32 s8, s30;
	[sflag:s5] =	ssyncadd.s32 $0xFFFFD8F0  }
0x21: {  	[hbm4b:s15+s31] =	stream.linear.scatter [tilespmem:s14], [sflag:$0x3], $0x2710, $0x38;
	[tilespmem:$0x9C40] =	vst v63  }
.LBB2_5:
0x22: {  	s15 =	sadd.s32 $0x4E200, s11  }
0x23: {  	p1 =	sgt.s32 s15, $0x61A7F  }
0x24: {  	s15 =	smov.u32 @p1 s4;
	p1 =	sne.s32 s12, s9  }
.Ltmp1:
0x25: {  	p0 =	slt.u32 s12, $0x2;
	(pc) =	sbr.rel @!p1 .LBB2_6-.Ltmp1, $4  }
0x26: {  	s14 =	simm.s32 @!p0 $0x3  }
0x27: {  	_ =	swait.ge @!p0 [sflag:s14], $0x2710  }
0x28: {  	s16 =	sadd.s32 $0x1, s12;
	s13 =	smov.u32 s11;
	[sflag:s14] =	ssyncset.done @!p0 $0x0  }
0x29: {  	s12 =	smov.u32 s16;
	s11 =	smov.u32 s15;
	[sflag:s14] =	ssyncadd.s32 @!p0 $0xFFFFD8F0  }
.LBB2_1:
0x2a: {  	p0 =	sge.u32 s12, s7  }
0x2b: {  	s14 =	sxor.u32 @!p0 $0x1, s12  }
0x2c: {  	s14 =	smul.u32 @!p0 $0x9C40, s14  }
0x2d: {  	s31 =	sadd.s32 $0xFFFFFFFF, s12;
	s15 =	sshrl.u32 @!p0 s11, $0x3  }
0x2e: {  	s16 =	sand.u32 @!p0 $0x7, s11;
	s15 =	sadd.s32 @!p0 s3, s15;
	s14 =	sshra.s32 @!p0 s14, $0x2  }
0x2f: {  	[tilespmem:s14], [sflag:$0x2] =	stream.linear.gather @!p0 [hbm4b:s15+s16], $0x2710, $0x38;
	[tilespmem:$0x9C40] =	vst v63  }
0x30: {  	p0 =	sge.u32 s31, s7  }
.Ltmp2:
0x31: {  	_ = 	snop;
	(pc) =	sbr.rel @p0 .LBB2_5-.Ltmp2, $1  }
0x32: {  	_ =	sdelay $0x3  }
0x33: {  	s14 =	sand.u32 $0x1, s12  }
0x34: {  	_ =	swait.ge [sflag:s6], $0x2710;
	p0 =	seq.s32 s14, $0x1;
	s14 =	simm.s32 $0x2710  }
0x35: {  	[sflag:s6] =	ssyncset.done $0x0;
	s14 =	simm.s32 @!p0 $0x0  }
0x36: {  	[sflag:s6] =	ssyncadd.s32 $0xFFFFD8F0;
	(ifvalue) =	ssetifvalue $0x7FFFFFFF;
	v0 =	vld.msk [tilespmem:s14+$0x0 ss:$0x1], $0xffff  }
0x37: {  	s15 =	sadd.s32 $0x10, s14  }
0x38: {  	v1 =	vld.msk [tilespmem:s15+$0x0 ss:$0x1], $0xffff;
	_ =	sdelay $0x2  }
0x39: {  	v2 =	vshrl.u32 v0, $0xE  }
0x3a: {  	vm1 =	veq.s32 v0, $0x80000000;
	v0 =	vand.u32 $0x3FFF, v0;
	v2 =	vand.u32 $0x3FFF, v2  }
0x3b: {  	v0 =	vsel vm1, $0xFFFFFFFF, v0;
	v6 =	vshrl.u32 v1, $0xE;
	v2 =	vsel vm1, $0xFFFFFFFF, v2  }
0x3c: {  	v3 =	vshrl.u32 v0, $0x3;
	v0 =	vshll.u32 v0, $0x7;
	vm1 =	veq.s32 v1, $0x80000000  }
0x3d: {  	s15 =	sadd.s32 $0x10, s15;
	v1 =	vand.u32 $0x3FFF, v1;
	v4 =	vshll.u32 v2, $0x3;
	v3 =	vmul.u32 $0x13C00, v3  }
0x3e: {  	v0 =	vand.u32 $0x380, v0;
	v7 =	vand.u32 $0x7F, v2;
	v5 =	vand.u32 $0xFFFFFC00, v4;
	v4 =	vld.msk [tilespmem:s15+$0x0 ss:$0x1], $0xffff  }
0x3f: {  	v1 =	vsel vm1, $0xFFFFFFFF, v1;
	v2 =	vadd.s32 v3, v5;
	v3 =	vand.u32 $0x3FFF, v6  }
0x40: {  	v3 =	vsel vm1, $0xFFFFFFFF, v3;
	v0 =	vor.u32 v0, v2;
	v2 =	vshrl.u32 v1, $0x3  }
0x41: {  	v1 =	vshll.u32 v1, $0x7;
	v5 =	vshll.u32 v3, $0x3;
	v8 =	vmul.u32 $0x13C00, v2  }
0x42: {  	s18 =	simm.s32 $0x30;
	s14 =	sadd.s32 $0x4E20, s14;
	s17 =	sadd.s32 $0x10, s15;
	v2 =	vand.u32 $0x380, v1;
	v0 =	vor.u32 v7, v0;
	v5 =	vand.u32 $0xFFFFFC00, v5  }
0x43: {  	s16 =	smov.u32 s14;
	s15 =	smov.u32 s14;
	v1 =	vld.msk [tilespmem:s17+$0x0 ss:$0x1], $0xffff;
	v3 =	vand.u32 $0x7F, v3;
	(ifvalue) =	ssetifvalue $0x7FFFFFFF;
	v6 =	vshrl.u32 v4, $0xE;
	v5 =	vadd.s32 v8, v5  }
.LBB2_3:
0x44: {  	s18 =	sadd.s32 $0x10, s18  }
0x45: {  	vm1 =	veq.s32 v4, $0x80000000;
	v4 =	vand.u32 $0x3FFF, v4;
	v6 =	vand.u32 $0x3FFF, v6;
	s15 =	sadd.s32 $0x10, s15;
	p0 =	slt.u32 s18, $0x2700  }
.Ltmp3:
0x46: {  	v5 =	vor.u32 v2, v5;
	v4 =	vsel vm1, $0xFFFFFFFF, v4;
	v7 =	vsel vm1, $0xFFFFFFFF, v6;
	(pc) =	sbr.rel @p0 .LBB2_3-.Ltmp3, $4  }
0x47: {  	v2 =	vshrl.u32 v4, $0x3;
	v6 =	vshll.u32 v7, $0x3;
	v4 =	vshll.u32 v4, $0x7;
	[tilespmem:s16], [sflag:$0x1] =	stream.indirect_vreg.gather [hbm4b:s2+s10], $0x1, v0, vm0, $0x4038;
	[tilespmem:$0x9C40] =	vst v63  }
0x48: {  	v0 =	vor.u32 v3, v5;
	s16 =	smov.u32 s15;
	v8 =	vmul.u32 $0x13C00, v2;
	v2 =	vand.u32 $0x380, v4  }
0x49: {  	s17 =	sadd.s32 $0x10, s17;
	v9 =	vand.u32 $0xFFFFFC00, v6  }
0x4a: {  	v3 =	vand.u32 $0x7F, v7;
	v6 =	vshrl.u32 v1, $0xE;
	v5 =	vadd.s32 v8, v9;
	(ifvalue) =	ssetifvalue $0x7FFFFFFF;
	v4 =	vmovc v1;
	v1 =	vld.msk [tilespmem:s17+$0x0 ss:$0x1], $0xffff  }
.Ltmp4:
0x4b: {  	_ = 	snop;
	(pc) =	sbr.rel .LBB2_4-.Ltmp4, $1  }
0x4c: {  	_ =	sdelay $0x3  }
.LBB2_6:
0x4d: {  	_ =	sfence.sel $0x180000  }
0x4e: {  	s2 =	simm.s32 $0x2;
	[bflag:$0x0] =	sbarrier.arrive $0xFFFF  }
0x4f: {  	s30 =	simm.s32 $0x3;
	[sflag:s2] =	ssyncpa.u1 $0x1  }
0x50: {  	s31 =	simm.s32 $0x1;
	[sflag:s30] =	ssyncpa.u1 $0x1  }
0x51: {  	[sflag:s31] =	ssyncpa.u1 $0x1  }
0x52: {  	p0 =	sne.s32 s1, $0x0;
	_ =	strace $0x9000004A  }
0x53: {  	s0 =	sadd.s32 @!p0 $0x100000, s0;
	[bflag:$0x2] =	sbarrier.arrive $0xFFFF  }
0x54: {  	[sflag:s0] =	ssyncadd.tile.s32 @!p0 $0x1;
	_ =	shalt  }
.Lfunc_end2:
_tile_overlayer_lowered:
.L_overlay_start_2:
0x55: {  	(tag) =	ssettag $0x2  }
0x56: {  	s0 =	rddreg [dreg:$0x0];
	s2 =	stileid.u32  }
0x57: {  	s1 =	rddreg [dreg:$0x1];
	p0 =	sne.s32 s2, $0x0  }
0x58: {  	s3 =	rddreg [dreg:$0x2];
	[bflag:$0x3] =	sbarrier.arrive $0xFFFF;
	s2 =	simm.s32 @!p0 $0x1C01  }
0x59: {  	[timem:s3], [sflag:s2] =	dma.local @!p0 [hbm:s0], s1  }
0x5a: {  	s0 =	simm.s32 @!p0 $0x1  }
0x5b: {  	_ =	swait.ge @!p0 [sflag:s0], s1  }
0x5c: {  	s1 =	ssub.s32 @!p0 $0x0, s1;
	[sflag:s0] =	ssyncset.done @!p0 $0x0  }
0x5d: {  	[sflag:s0] =	ssyncadd.s32 @!p0 s1  }
0x5e: {  	[bflag:$0x3] =	sbarrier.arrive $0xFFFF  }
0x5f: {  	_ =	shalt  }

// kernel: gather_offload_async_start.2
scs
__scs_entry_jumppad:
0x0: {  	(pc) =	sbr.rel $0x88, $3  }
0x1: {  	(tag) =	ssettag $0x0;
	lr =	simm.s32 $0x1  }
0x2: {  	[smem:$0x3F82] =	sst lr;
	_ =	strace $0xD0000000  }
0x3: {  	_ = 	snop  }
0x4: {  	_ = 	snop  }
0x5: {  	_ = 	snop  }
0x6: {  	_ = 	snop  }
0x7: {  	_ = 	snop  }
__scs_overlays_trampoline_lowered:
0x8: {  	[smem:$0x3F91] =	sst s0  }
0x9: {  	[smem:$0x3F92] =	sst s1  }
0xa: {  	[smem:$0x3F93] =	sst s2  }
0xb: {  	[smem:$0x3F94] =	sst s3  }
0xc: {  	[smem:$0x3F95] =	sst s4  }
0xd: {  	[smem:$0x3F96] =	sst s5  }
0xe: {  	[smem:$0x3F97] =	sst s6  }
0xf: {  	[smem:$0x3F98] =	sst s7  }
0x10: {  	[smem:$0x3F99] =	sst s8  }
0x11: {  	[smem:$0x3F9A] =	sst s9;
	s0 =	simm.s32 @!p0 $0x0  }
0x12: {  	s1 =	sld [smem:$0x3F80];
	s0 =	simm.s32 @p0 $0x1  }
0x13: {  	[smem:$0x3F9B] =	sst s0;
	s0 =	simm.s32 @!p1 $0x0  }
0x14: {  	s2 =	sld [smem:$0x3F7F];
	s0 =	simm.s32 @p1 $0x1  }
0x15: {  	[smem:$0x3F9C] =	sst s0;
	s0 =	simm.s32 @!p2 $0x0  }
0x16: {  	s3 =	sld [smem:$0x3FDB];
	s0 =	simm.s32 @p2 $0x1  }
0x17: {  	s4 =	simm.s32 $0x1BF5;
	[smem:$0x3F9E] =	sst s0  }
0x18: {  	s0 =	sld [smem:$0x3F81];
	_ =	swait.ge [sflag:s4], $0x0  }
0x19: {  	s7 =	sld [smem:$0x3F82]  }
0x1a: {  	s8 =	sadd.s32 $0xFFFFE003, lr  }
0x1b: {  	s9 =	sadd.s32 $0xFFFFFEF7, lr;
	s5 =	simm.s32 $0xFFFFFFFF;
	p2 =	slt.u32 s8, $0xFFFFF086  }
0x1c: {  	p1 =	slt.u32 s9, $0xF7A;
	s5 =	simm.s32 @!p2 $0x0  }
0x1d: {  	s5 =	simm.s32 @p1 $0x1;
	p0 =	seq.s32 s7, s2  }
0x1e: {  	s7 =	smul.u32 @!p0 $0xF7A, s2;
	p2 =	seq.s32 @!p0 s5, $0x0  }
0x1f: {  	s9 =	smul.u32 $0xF7A, s1;
	s8 =	simm.s32 @!p0 $0x1BF5;
	p2 =	por !p2, p0  }
0x20: {  	[sflag:s8] =	ssyncset.s32 @!p0 $0xFFFFF086;
	s6 =	sadd.s32 @!p0 s3, s7;
	s7 =	simm.s32 @!p0 $0x108  }
0x21: {  	s3 =	sadd.s32 s3, s9;
	s6 =	sadd.s32 @!p0 $0x88, s6;
	s7 =	simm.s32 @p2 $0x1082  }
0x22: {  	[simem:s7], [sflag:s8] =	dma.local @!p0 [hbm:s6], $0xF7A  }
0x23: {  	s9 =	sor.u32 $0xD0000000, s2;
	s6 =	simm.s32 $0x108;
	_ =	swait.ge @!p0 [sflag:s8], $0x0  }
0x24: {  	s3 =	sadd.s32 $0x88, s3;
	s6 =	simm.s32 @!p1 $0x1082;
	[sflag:s4] =	ssyncset.s32 $0xFFFFF086  }
0x25: {  	[simem:s6], [sflag:s4] =	dma.local [hbm:s3], $0xF7A  }
0x26: {  	[smem:$0x3F82] =	sst s1;
	(tag) =	ssettag s2;
	_ =	strace s9  }
0x27: {  	s1 =	sld [smem:$0x3F92]  }
0x28: {  	s2 =	sld [smem:$0x3F93]  }
0x29: {  	s4 =	sld [smem:$0x3F95]  }
0x2a: {  	p0 =	seq.s32 s5, $0x0;
	s5 =	sld [smem:$0x3F96]  }
0x2b: {  	s6 =	sld [smem:$0x3F97]  }
0x2c: {  	s7 =	sld [smem:$0x3F98]  }
0x2d: {  	s3 =	simm.s32 $0x108;
	s8 =	sld [smem:$0x3F99]  }
0x2e: {  	s3 =	simm.s32 @!p0 $0x1082;
	s9 =	sld [smem:$0x3F9A]  }
0x2f: {  	lr =	sadd.s32 s0, s3;
	s0 =	sld [smem:$0x3F91]  }
0x30: {  	s3 =	sld [smem:$0x3F94]  }
0x31: {  	[smem:$0x3F9D] =	sst s10  }
0x32: {  	s10 =	sld [smem:$0x3F9B];
	_ =	sdelay $0x3  }
0x33: {  	p0 =	seq.s32 s10, $0x1;
	s10 =	sld [smem:$0x3F9D];
	_ =	sdelay $0x3  }
0x34: {  	[smem:$0x3F9D] =	sst s10  }
0x35: {  	s10 =	sld [smem:$0x3F9C];
	_ =	sdelay $0x3  }
0x36: {  	p1 =	seq.s32 s10, $0x1;
	s10 =	sld [smem:$0x3F9D];
	_ =	sdelay $0x3  }
0x37: {  	[smem:$0x3F9D] =	sst s10  }
0x38: {  	s10 =	sld [smem:$0x3F9E]  }
0x39: {  	_ = 	snop;
	(pc) =	sbr.ind lr, $3  }
0x3a: {  	_ = 	snop  }
0x3b: {  	_ = 	snop  }
0x3c: {  	p2 =	seq.s32 s10, $0x1;
	s10 =	sld [smem:$0x3F9D]  }
0x3d: {  	_ =	shalt  }
0x3e: {  	_ =	shalt  }
0x3f: {  	_ =	shalt  }
0x40: {  	_ =	shalt  }
0x41: {  	_ =	shalt  }
0x42: {  	_ =	shalt  }
0x43: {  	_ =	shalt  }
0x44: {  	_ =	shalt  }
0x45: {  	_ =	shalt  }
0x46: {  	_ =	shalt  }
0x47: {  	_ =	shalt  }
0x48: {  	_ =	shalt  }
0x49: {  	_ =	shalt  }
0x4a: {  	_ =	shalt  }
0x4b: {  	_ =	shalt  }
0x4c: {  	_ =	shalt  }
0x4d: {  	_ =	shalt  }
0x4e: {  	_ =	shalt  }
0x4f: {  	_ =	shalt  }
0x50: {  	_ =	shalt  }
0x51: {  	_ =	shalt  }
0x52: {  	_ =	shalt  }
0x53: {  	_ =	shalt  }
0x54: {  	_ =	shalt  }
0x55: {  	_ =	shalt  }
0x56: {  	_ =	shalt  }
0x57: {  	_ =	shalt  }
0x58: {  	_ =	shalt  }
0x59: {  	_ =	shalt  }
0x5a: {  	_ =	shalt  }
0x5b: {  	_ =	shalt  }
0x5c: {  	_ =	shalt  }
0x5d: {  	_ =	shalt  }
0x5e: {  	_ =	shalt  }
0x5f: {  	_ =	shalt  }
0x60: {  	_ =	shalt  }
0x61: {  	_ =	shalt  }
0x62: {  	_ =	shalt  }
0x63: {  	_ =	shalt  }
0x64: {  	_ =	shalt  }
0x65: {  	_ =	shalt  }
0x66: {  	_ =	shalt  }
0x67: {  	_ =	shalt  }
0x68: {  	_ =	shalt  }
0x69: {  	_ =	shalt  }
0x6a: {  	_ =	shalt  }
0x6b: {  	_ =	shalt  }
0x6c: {  	_ =	shalt  }
0x6d: {  	_ =	shalt  }
0x6e: {  	_ =	shalt  }
0x6f: {  	_ =	shalt  }
0x70: {  	_ =	shalt  }
0x71: {  	_ =	shalt  }
0x72: {  	_ =	shalt  }
0x73: {  	_ =	shalt  }
0x74: {  	_ =	shalt  }
0x75: {  	_ =	shalt  }
0x76: {  	_ =	shalt  }
0x77: {  	_ =	shalt  }
0x78: {  	_ =	shalt  }
0x79: {  	_ =	shalt  }
0x7a: {  	_ =	shalt  }
0x7b: {  	_ =	shalt  }
0x7c: {  	_ =	shalt  }
0x7d: {  	_ =	shalt  }
0x7e: {  	_ =	shalt  }
0x7f: {  	_ =	shalt  }
0x80: {  	_ =	shalt  }
0x81: {  	_ =	shalt  }
0x82: {  	_ =	shalt  }
0x83: {  	_ =	shalt  }
0x84: {  	_ =	shalt  }
0x85: {  	_ =	shalt  }
0x86: {  	_ =	shalt  }
0x87: {  	_ =	shalt  }
.Lfunc_end0:
.L_simem_size_0:
called_computation.2_lowered:
.L_overlay_start_0:
0x88: {  	s2 =	sld [smem:$0x3FD9]  }
0x89: {  	s3 =	sld [smem:$0x3FFE];
	_ =	sdelay $0x1  }
0x8a: {  	s1 =	srdreg.scid  }
0x8b: {  	s0 =	sand.u32 $0x1, s1  }
0x8c: {  	s16 =	sshll.u32 s0, $0xA;
	s2 =	sadd.s32 s3, s2  }
0x8d: {  	s2 =	sadd.s32 s2, s16  }
0x8e: {  	[smem:$0x3FA9] =	sst s2  }
0x8f: {  	_ = 	snop  }
0x90: {  	(tm) =	ssettm $0x1  }
0x91: {  	s17 =	sld [smem:$0x3FFB];
	_ =	sdelay $0x3  }
0x92: {  	_ =	strace s17  }
0x93: {  	s2 =	sld [smem:$0x3FFC];
	_ =	sdelay $0x3  }
0x94: {  	_ =	strace s2  }
0x95: {  	s2 =	sld [smem:$0x3FFD];
	_ =	sdelay $0x3  }
0x96: {  	_ =	strace s2  }
0x97: {  	_ =	strace $0x8FFFFFFF  }
0x98: {  	s18 =	sld [smem:$0x3FDB];
	_ =	sdelay $0x1  }
0x99: {  	s19 =	simm.s32 $_scs_section_size  }
0x9a: {  	s4 =	simm.s32 $_size__tile_overlayer_lowered;
	s5 =	simm.s32 $_tile_overlayer_lowered  }
0x9b: {  	s22 =	simm.s32 $0x1BFF;
	s21 =	sshll.u32 s5, $0x1;
	s2 =	sadd.s32 s19, s18  }
0x9c: {  	s6 =	simm.s32 $0x0;
	s20 =	sshll.u32 s4, $0x1;
	s4 =	sadd.s32 s21, s2  }
0x9d: {  	[timem:s6], [sflag:s22] =	dma.local [hbm:s4], s20  }
0x9e: {  	_ =	swait.ge [sflag:s22], s20  }
0x9f: {  	s3 =	ssub.s32 $0x0, s20;
	[sflag:s22] =	ssyncset.done $0x0  }
0xa0: {  	[sflag:s22] =	ssyncadd.s32 s3;
	_ =	sdelay $0x1  }
0xa1: {  	s23 =	simm.s32 $0x1B8B  }
0xa2: {  	_ =	swait.ge [sflag:s23], $0x1  }
0xa3: {  	[sflag:s23] =	ssyncset.done $0x0  }
0xa4: {  	s25 =	simm.s32 $0x1B8E;
	s24 =	sld [smem:$0x3FFE];
	[sflag:s23] =	ssyncadd.s32 $0xFFFFFFFF  }
0xa5: {  	s26 =	simm.s32 $execute0_lowered;
	[smem:$0x3FD2] =	sst s25  }
0xa6: {  	s4 =	sshll.u32 s26, $0x1;
	_ =	strace $0x8000004C;
	[dreg:$0x1] =	wrdreg $0xFFFFFFFF  }
0xa7: {  	s28 =	simm.s32 $_size_execute0_lowered;
	s2 =	sadd.s32 s2, s4;
	[dreg:$0x0] =	wrdreg $0x0  }
0xa8: {  	s4 =	sshll.u32 s28, $0x1;
	[dreg:$0x2] =	wrdreg s2  }
0xa9: {  	[dreg:$0x3] =	wrdreg s4  }
0xaa: {  	[dreg:$0x4] =	wrdreg $0xC0  }
0xab: {  	_ =	task [dreg:s6], $0x5FFFF  }
0xac: {  	[dreg:$0x1] =	wrdreg $0xFFFFFFFF  }
0xad: {  	[dreg:$0x0] =	wrdreg $0x60  }
0xae: {  	[dreg:$0x2] =	wrdreg s24  }
0xaf: {  	[dreg:$0x3] =	wrdreg $0x9  }
0xb0: {  	_ =	task.clear_ibuf [dreg:s6], $0x4FFFF;
	_ =	strace $0x9000004C  }
0xb1: {  	s29 =	simm.s32 $0x9;
	_ =	strace $0x8000004E  }
0xb2: {  	_ =	swait.ge [sflag:s29], $0x1  }
0xb3: {  	[sflag:s29] =	ssyncadd.s32 $0xFFFFFFFF  }
0xb4: {  	_ =	strace $0x9000004E  }
0xb5: {  	_ =	sfence  }
0xb6: {  	s30 =	sld [smem:$0x0];
	_ =	sdelay $0x2  }
0xb7: {  	s31 =	sshll.u32 s1, $0xD;
	s1 =	sshrl.u32 s1, $0x2  }
0xb8: {  	s3 =	sand.u32 $0x4000, s31;
	s1 =	sadd.s32 s1, s30  }
0xb9: {  	s0 =	sor.u32 s3, s0;
	s1 =	sshll.u32 s1, $0x11  }
0xba: {  	s0 =	sor.u32 s1, s0  }
0xbb: {  	s0 =	sadd.s32 $0x8F2B, s0  }
0xbc: {  	[sflag:s0] =	ssyncadd.remote.s32 $0x1  }
0xbd: {  	_ =	sfence.sel $0xFFFF  }
0xbe: {  	[dreg:$0x0] =	wrdreg $0xFFFFFFFF;
	(pc) =	sbr.abs _section_cstart, $3  }
0xbf: {  	[dreg:$0x1] =	wrdreg $0xFFFFFFFF  }
0xc0: {  	_ =	task.clear_ibuf [dreg:s6], $0x2FFFF;
	_ =	strace $0x9FFFFFFF  }
0xc1: {  	(tm) =	ssettm $0x7FFFFFFF  }
tec
execute0_lowered:
.L_overlay_start_1:
0x0: {  	(tag) =	ssettag $0x1  }
0x1: {  	s8 =	rddreg [dreg:$0x0];
	s1 =	stileid.u32  }
0x2: {  	s2 =	srdreg.scid;
	s0 =	rddreg [dreg:$0x1]  }
0x3: {  	_ =	strace $0x8000004D;
	s5 =	simm.s32 $0x1;
	s9 =	simm.s32 $0x1  }
0x4: {  	s10 =	simm.s32 $0x3;
	s2 =	sand.u32 $0x1, s2;
	s3 =	sshll.u32 s1, $0x1  }
0x5: {  	s13 =	simm.s32 $0x0;
	s12 =	simm.s32 $0x0;
	s6 =	sor.u32 s3, s2  }
0x6: {  	[sflag:s5] =	ssyncpa.u1 $0x0;
	s2 =	sadd.s32 $0x28800, s8;
	s4 =	smul.u32 $0x2710, s6  }
0x7: {  	s3 =	sadd.s32 $0xC5DA00, s8;
	p0 =	slt.u32 s6, $0x9;
	s6 =	simm.s32 $0x4E200  }
.Ltmp0:
0x8: {  	s6 =	simm.s32 @!p0 $0x0;
	s7 =	ssub.s32 $0x61A80, s4;
	(pc) =	sbr.rel .LBB2_1-.Ltmp0, $4  }
0x9: {  	s9 =	simm.s32 @!p0 $0x0;
	p0 =	sne.s32 s7, s6;
	s7 =	simm.s32 $0x1  }
0xa: {  	s8 =	sadd.s32 $0xCC4600, s8;
	s6 =	simm.s32 $0x2;
	s7 =	simm.s32 @!p0 $0x0  }
0xb: {  	s11 =	smov.u32 s4;
	[sflag:s6] =	ssyncpa.u1 $0x0;
	s7 =	sadd.s32 s9, s7  }
0xc: {  	vm0 =	vmmov $0xffff;
	[sflag:s10] =	ssyncpa.u1 $0x0;
	s10 =	simm.s32 $0x0;
	s9 =	sadd.s32 $0x1, s7  }
.LBB2_4:
0xd: {  	vm1 =	veq.s32 v4, $0x80000000;
	v56 =	vand.u32 $0x3FFF, v4;
	v6 =	vand.u32 $0x3FFF, v6  }
0xe: {  	v2 =	vor.u32 v2, v5;
	v59 =	vshrl.u32 v1, $0xE;
	v60 =	vand.u32 $0x3FFF, v1  }
0xf: {  	v4 =	vsel vm1, $0xFFFFFFFF, v56;
	v6 =	vsel vm1, $0xFFFFFFFF, v6;
	v2 =	vor.u32 v3, v2  }
0x10: {  	vm1 =	veq.s32 v1, $0x80000000;
	v5 =	vand.u32 $0x3FFF, v59;
	v7 =	vshrl.u32 v4, $0x3  }
0x11: {  	v57 =	vshll.u32 v6, $0x3;
	v4 =	vshll.u32 v4, $0x7;
	v1 =	vsel vm1, $0xFFFFFFFF, v60  }
0x12: {  	v5 =	vsel vm1, $0xFFFFFFFF, v5;
	v6 =	vand.u32 $0x7F, v6;
	v7 =	vmul.u32 $0x13C00, v7  }
0x13: {  	v58 =	vand.u32 $0xFFFFFC00, v57;
	v4 =	vand.u32 $0x380, v4;
	v61 =	vshrl.u32 v1, $0x3  }
0x14: {  	v62 =	vshll.u32 v5, $0x3;
	v3 =	vadd.s32 v7, v58;
	v7 =	vmul.u32 $0x13C00, v61  }
0x15: {  	v1 =	vshll.u32 v1, $0x7;
	v3 =	vor.u32 v4, v3;
	v4 =	vand.u32 $0xFFFFFC00, v62  }
0x16: {  	v1 =	vand.u32 $0x380, v1;
	v3 =	vor.u32 v6, v3;
	v4 =	vadd.s32 v7, v4  }
0x17: {  	[tilespmem:s16], [sflag:$0x1] =	stream.indirect_vreg.gather [hbm4b:s2+s10], $0x1, v0, vm0, $0x4038;
	v63 =	vand.u32 $0x7F, v5;
	v1 =	vor.u32 v1, v4;
	[tilespmem:$0x9C40] =	vst v63  }
0x18: {  	s15 =	sadd.s32 $0x10, s15;
	(ifvalue) =	ssetifvalue $0x7FFFFFFF;
	v0 =	vor.u32 v63, v1  }
0x19: {  	[tilespmem:s15], [sflag:$0x1] =	stream.indirect_vreg.gather [hbm4b:s2+s10], $0x1, v2, vm0, $0x4038;
	[tilespmem:$0x9C40] =	vst v63  }
0x1a: {  	s15 =	sadd.s32 $0x10, s15;
	(ifvalue) =	ssetifvalue $0x7FFFFFFF  }
0x1b: {  	[tilespmem:s15], [sflag:$0x1] =	stream.indirect_vreg.gather [hbm4b:s2+s10], $0x1, v3, vm0, $0x4038;
	[tilespmem:$0x9C40] =	vst v63  }
0x1c: {  	s15 =	sadd.s32 $0x10, s15;
	(ifvalue) =	ssetifvalue $0x7FFFFFFF  }
0x1d: {  	[tilespmem:s15], [sflag:$0x1] =	stream.indirect_vreg.gather [hbm4b:s2+s10], $0x1, v0, vm0, $0x4038;
	[tilespmem:$0x9C40] =	vst v63  }
0x1e: {  	_ =	swait.ge [sflag:s5], $0x2710  }
0x1f: {  	s30 =	sshrl.u32 s13, $0x3;
	[sflag:s5] =	ssyncset.done $0x0  }
0x20: {  	s31 =	sand.u32 $0x7, s13;
	s15 =	sadd.s32 s8, s30;
	[sflag:s5] =	ssyncadd.s32 $0xFFFFD8F0  }
0x21: {  	[hbm4b:s15+s31] =	stream.linear.scatter [tilespmem:s14], [sflag:$0x3], $0x2710, $0x38;
	[tilespmem:$0x9C40] =	vst v63  }
.LBB2_5:
0x22: {  	s15 =	sadd.s32 $0x4E200, s11  }
0x23: {  	p1 =	sgt.s32 s15, $0x61A7F  }
0x24: {  	s15 =	smov.u32 @p1 s4;
	p1 =	sne.s32 s12, s9  }
.Ltmp1:
0x25: {  	p0 =	slt.u32 s12, $0x2;
	(pc) =	sbr.rel @!p1 .LBB2_6-.Ltmp1, $4  }
0x26: {  	s14 =	simm.s32 @!p0 $0x3  }
0x27: {  	_ =	swait.ge @!p0 [sflag:s14], $0x2710  }
0x28: {  	s16 =	sadd.s32 $0x1, s12;
	s13 =	smov.u32 s11;
	[sflag:s14] =	ssyncset.done @!p0 $0x0  }
0x29: {  	s12 =	smov.u32 s16;
	s11 =	smov.u32 s15;
	[sflag:s14] =	ssyncadd.s32 @!p0 $0xFFFFD8F0  }
.LBB2_1:
0x2a: {  	p0 =	sge.u32 s12, s7  }
0x2b: {  	s14 =	sxor.u32 @!p0 $0x1, s12  }
0x2c: {  	s14 =	smul.u32 @!p0 $0x9C40, s14  }
0x2d: {  	s31 =	sadd.s32 $0xFFFFFFFF, s12;
	s15 =	sshrl.u32 @!p0 s11, $0x3  }
0x2e: {  	s16 =	sand.u32 @!p0 $0x7, s11;
	s15 =	sadd.s32 @!p0 s3, s15;
	s14 =	sshra.s32 @!p0 s14, $0x2  }
0x2f: {  	[tilespmem:s14], [sflag:$0x2] =	stream.linear.gather @!p0 [hbm4b:s15+s16], $0x2710, $0x38;
	[tilespmem:$0x9C40] =	vst v63  }
0x30: {  	p0 =	sge.u32 s31, s7  }
.Ltmp2:
0x31: {  	_ = 	snop;
	(pc) =	sbr.rel @p0 .LBB2_5-.Ltmp2, $1  }
0x32: {  	_ =	sdelay $0x3  }
0x33: {  	s14 =	sand.u32 $0x1, s12  }
0x34: {  	_ =	swait.ge [sflag:s6], $0x2710;
	p0 =	seq.s32 s14, $0x1;
	s14 =	simm.s32 $0x2710  }
0x35: {  	[sflag:s6] =	ssyncset.done $0x0;
	s14 =	simm.s32 @!p0 $0x0  }
0x36: {  	[sflag:s6] =	ssyncadd.s32 $0xFFFFD8F0;
	(ifvalue) =	ssetifvalue $0x7FFFFFFF;
	v0 =	vld.msk [tilespmem:s14+$0x0 ss:$0x1], $0xffff  }
0x37: {  	s15 =	sadd.s32 $0x10, s14  }
0x38: {  	v1 =	vld.msk [tilespmem:s15+$0x0 ss:$0x1], $0xffff;
	_ =	sdelay $0x2  }
0x39: {  	v2 =	vshrl.u32 v0, $0xE  }
0x3a: {  	vm1 =	veq.s32 v0, $0x80000000;
	v0 =	vand.u32 $0x3FFF, v0;
	v2 =	vand.u32 $0x3FFF, v2  }
0x3b: {  	v0 =	vsel vm1, $0xFFFFFFFF, v0;
	v6 =	vshrl.u32 v1, $0xE;
	v2 =	vsel vm1, $0xFFFFFFFF, v2  }
0x3c: {  	v3 =	vshrl.u32 v0, $0x3;
	v0 =	vshll.u32 v0, $0x7;
	vm1 =	veq.s32 v1, $0x80000000  }
0x3d: {  	s15 =	sadd.s32 $0x10, s15;
	v1 =	vand.u32 $0x3FFF, v1;
	v4 =	vshll.u32 v2, $0x3;
	v3 =	vmul.u32 $0x13C00, v3  }
0x3e: {  	v0 =	vand.u32 $0x380, v0;
	v7 =	vand.u32 $0x7F, v2;
	v5 =	vand.u32 $0xFFFFFC00, v4;
	v4 =	vld.msk [tilespmem:s15+$0x0 ss:$0x1], $0xffff  }
0x3f: {  	v1 =	vsel vm1, $0xFFFFFFFF, v1;
	v2 =	vadd.s32 v3, v5;
	v3 =	vand.u32 $0x3FFF, v6  }
0x40: {  	v3 =	vsel vm1, $0xFFFFFFFF, v3;
	v0 =	vor.u32 v0, v2;
	v2 =	vshrl.u32 v1, $0x3  }
0x41: {  	v1 =	vshll.u32 v1, $0x7;
	v5 =	vshll.u32 v3, $0x3;
	v8 =	vmul.u32 $0x13C00, v2  }
0x42: {  	s18 =	simm.s32 $0x30;
	s14 =	sadd.s32 $0x4E20, s14;
	s17 =	sadd.s32 $0x10, s15;
	v2 =	vand.u32 $0x380, v1;
	v0 =	vor.u32 v7, v0;
	v5 =	vand.u32 $0xFFFFFC00, v5  }
0x43: {  	s16 =	smov.u32 s14;
	s15 =	smov.u32 s14;
	v1 =	vld.msk [tilespmem:s17+$0x0 ss:$0x1], $0xffff;
	v3 =	vand.u32 $0x7F, v3;
	(ifvalue) =	ssetifvalue $0x7FFFFFFF;
	v6 =	vshrl.u32 v4, $0xE;
	v5 =	vadd.s32 v8, v5  }
.LBB2_3:
0x44: {  	s18 =	sadd.s32 $0x10, s18  }
0x45: {  	vm1 =	veq.s32 v4, $0x80000000;
	v4 =	vand.u32 $0x3FFF, v4;
	v6 =	vand.u32 $0x3FFF, v6;
	s15 =	sadd.s32 $0x10, s15;
	p0 =	slt.u32 s18, $0x2700  }
.Ltmp3:
0x46: {  	v5 =	vor.u32 v2, v5;
	v4 =	vsel vm1, $0xFFFFFFFF, v4;
	v7 =	vsel vm1, $0xFFFFFFFF, v6;
	(pc) =	sbr.rel @p0 .LBB2_3-.Ltmp3, $4  }
0x47: {  	v2 =	vshrl.u32 v4, $0x3;
	v6 =	vshll.u32 v7, $0x3;
	v4 =	vshll.u32 v4, $0x7;
	[tilespmem:s16], [sflag:$0x1] =	stream.indirect_vreg.gather [hbm4b:s2+s10], $0x1, v0, vm0, $0x4038;
	[tilespmem:$0x9C40] =	vst v63  }
0x48: {  	v0 =	vor.u32 v3, v5;
	s16 =	smov.u32 s15;
	v8 =	vmul.u32 $0x13C00, v2;
	v2 =	vand.u32 $0x380, v4  }
0x49: {  	s17 =	sadd.s32 $0x10, s17;
	v9 =	vand.u32 $0xFFFFFC00, v6  }
0x4a: {  	v3 =	vand.u32 $0x7F, v7;
	v6 =	vshrl.u32 v1, $0xE;
	v5 =	vadd.s32 v8, v9;
	(ifvalue) =	ssetifvalue $0x7FFFFFFF;
	v4 =	vmovc v1;
	v1 =	vld.msk [tilespmem:s17+$0x0 ss:$0x1], $0xffff  }
.Ltmp4:
0x4b: {  	_ = 	snop;
	(pc) =	sbr.rel .LBB2_4-.Ltmp4, $1  }
0x4c: {  	_ =	sdelay $0x3  }
.LBB2_6:
0x4d: {  	_ =	sfence.sel $0x180000  }
0x4e: {  	s2 =	simm.s32 $0x2;
	[bflag:$0x0] =	sbarrier.arrive $0xFFFF  }
0x4f: {  	s30 =	simm.s32 $0x3;
	[sflag:s2] =	ssyncpa.u1 $0x1  }
0x50: {  	s31 =	simm.s32 $0x1;
	[sflag:s30] =	ssyncpa.u1 $0x1  }
0x51: {  	[sflag:s31] =	ssyncpa.u1 $0x1  }
0x52: {  	p0 =	sne.s32 s1, $0x0;
	_ =	strace $0x9000004D  }
0x53: {  	s0 =	sadd.s32 @!p0 $0x100000, s0;
	[bflag:$0x2] =	sbarrier.arrive $0xFFFF  }
0x54: {  	[sflag:s0] =	ssyncadd.tile.s32 @!p0 $0x1;
	_ =	shalt  }
.Lfunc_end2:
_tile_overlayer_lowered:
.L_overlay_start_2:
0x55: {  	(tag) =	ssettag $0x2  }
0x56: {  	s0 =	rddreg [dreg:$0x0];
	s2 =	stileid.u32  }
0x57: {  	s1 =	rddreg [dreg:$0x1];
	p0 =	sne.s32 s2, $0x0  }
0x58: {  	s3 =	rddreg [dreg:$0x2];
	[bflag:$0x3] =	sbarrier.arrive $0xFFFF;
	s2 =	simm.s32 @!p0 $0x1C01  }
0x59: {  	[timem:s3], [sflag:s2] =	dma.local @!p0 [hbm:s0], s1  }
0x5a: {  	s0 =	simm.s32 @!p0 $0x1  }
0x5b: {  	_ =	swait.ge @!p0 [sflag:s0], s1  }
0x5c: {  	s1 =	ssub.s32 @!p0 $0x0, s1;
	[sflag:s0] =	ssyncset.done @!p0 $0x0  }
0x5d: {  	[sflag:s0] =	ssyncadd.s32 @!p0 s1  }
0x5e: {  	[bflag:$0x3] =	sbarrier.arrive $0xFFFF  }
0x5f: {  	_ =	shalt  }

// kernel: gather_offload_async_start.3
scs
__scs_entry_jumppad:
0x0: {  	(pc) =	sbr.rel $0x88, $3  }
0x1: {  	(tag) =	ssettag $0x0;
	lr =	simm.s32 $0x1  }
0x2: {  	[smem:$0x3F82] =	sst lr;
	_ =	strace $0xD0000000  }
0x3: {  	_ = 	snop  }
0x4: {  	_ = 	snop  }
0x5: {  	_ = 	snop  }
0x6: {  	_ = 	snop  }
0x7: {  	_ = 	snop  }
__scs_overlays_trampoline_lowered:
0x8: {  	[smem:$0x3F91] =	sst s0  }
0x9: {  	[smem:$0x3F92] =	sst s1  }
0xa: {  	[smem:$0x3F93] =	sst s2  }
0xb: {  	[smem:$0x3F94] =	sst s3  }
0xc: {  	[smem:$0x3F95] =	sst s4  }
0xd: {  	[smem:$0x3F96] =	sst s5  }
0xe: {  	[smem:$0x3F97] =	sst s6  }
0xf: {  	[smem:$0x3F98] =	sst s7  }
0x10: {  	[smem:$0x3F99] =	sst s8  }
0x11: {  	[smem:$0x3F9A] =	sst s9;
	s0 =	simm.s32 @!p0 $0x0  }
0x12: {  	s1 =	sld [smem:$0x3F80];
	s0 =	simm.s32 @p0 $0x1  }
0x13: {  	[smem:$0x3F9B] =	sst s0;
	s0 =	simm.s32 @!p1 $0x0  }
0x14: {  	s2 =	sld [smem:$0x3F7F];
	s0 =	simm.s32 @p1 $0x1  }
0x15: {  	[smem:$0x3F9C] =	sst s0;
	s0 =	simm.s32 @!p2 $0x0  }
0x16: {  	s3 =	sld [smem:$0x3FDB];
	s0 =	simm.s32 @p2 $0x1  }
0x17: {  	s4 =	simm.s32 $0x1BF5;
	[smem:$0x3F9E] =	sst s0  }
0x18: {  	s0 =	sld [smem:$0x3F81];
	_ =	swait.ge [sflag:s4], $0x0  }
0x19: {  	s7 =	sld [smem:$0x3F82]  }
0x1a: {  	s8 =	sadd.s32 $0xFFFFE003, lr  }
0x1b: {  	s9 =	sadd.s32 $0xFFFFFEF7, lr;
	s5 =	simm.s32 $0xFFFFFFFF;
	p2 =	slt.u32 s8, $0xFFFFF086  }
0x1c: {  	p1 =	slt.u32 s9, $0xF7A;
	s5 =	simm.s32 @!p2 $0x0  }
0x1d: {  	s5 =	simm.s32 @p1 $0x1;
	p0 =	seq.s32 s7, s2  }
0x1e: {  	s7 =	smul.u32 @!p0 $0xF7A, s2;
	p2 =	seq.s32 @!p0 s5, $0x0  }
0x1f: {  	s9 =	smul.u32 $0xF7A, s1;
	s8 =	simm.s32 @!p0 $0x1BF5;
	p2 =	por !p2, p0  }
0x20: {  	[sflag:s8] =	ssyncset.s32 @!p0 $0xFFFFF086;
	s6 =	sadd.s32 @!p0 s3, s7;
	s7 =	simm.s32 @!p0 $0x108  }
0x21: {  	s3 =	sadd.s32 s3, s9;
	s6 =	sadd.s32 @!p0 $0x88, s6;
	s7 =	simm.s32 @p2 $0x1082  }
0x22: {  	[simem:s7], [sflag:s8] =	dma.local @!p0 [hbm:s6], $0xF7A  }
0x23: {  	s9 =	sor.u32 $0xD0000000, s2;
	s6 =	simm.s32 $0x108;
	_ =	swait.ge @!p0 [sflag:s8], $0x0  }
0x24: {  	s3 =	sadd.s32 $0x88, s3;
	s6 =	simm.s32 @!p1 $0x1082;
	[sflag:s4] =	ssyncset.s32 $0xFFFFF086  }
0x25: {  	[simem:s6], [sflag:s4] =	dma.local [hbm:s3], $0xF7A  }
0x26: {  	[smem:$0x3F82] =	sst s1;
	(tag) =	ssettag s2;
	_ =	strace s9  }
0x27: {  	s1 =	sld [smem:$0x3F92]  }
0x28: {  	s2 =	sld [smem:$0x3F93]  }
0x29: {  	s4 =	sld [smem:$0x3F95]  }
0x2a: {  	p0 =	seq.s32 s5, $0x0;
	s5 =	sld [smem:$0x3F96]  }
0x2b: {  	s6 =	sld [smem:$0x3F97]  }
0x2c: {  	s7 =	sld [smem:$0x3F98]  }
0x2d: {  	s3 =	simm.s32 $0x108;
	s8 =	sld [smem:$0x3F99]  }
0x2e: {  	s3 =	simm.s32 @!p0 $0x1082;
	s9 =	sld [smem:$0x3F9A]  }
0x2f: {  	lr =	sadd.s32 s0, s3;
	s0 =	sld [smem:$0x3F91]  }
0x30: {  	s3 =	sld [smem:$0x3F94]  }
0x31: {  	[smem:$0x3F9D] =	sst s10  }
0x32: {  	s10 =	sld [smem:$0x3F9B];
	_ =	sdelay $0x3  }
0x33: {  	p0 =	seq.s32 s10, $0x1;
	s10 =	sld [smem:$0x3F9D];
	_ =	sdelay $0x3  }
0x34: {  	[smem:$0x3F9D] =	sst s10  }
0x35: {  	s10 =	sld [smem:$0x3F9C];
	_ =	sdelay $0x3  }
0x36: {  	p1 =	seq.s32 s10, $0x1;
	s10 =	sld [smem:$0x3F9D];
	_ =	sdelay $0x3  }
0x37: {  	[smem:$0x3F9D] =	sst s10  }
0x38: {  	s10 =	sld [smem:$0x3F9E]  }
0x39: {  	_ = 	snop;
	(pc) =	sbr.ind lr, $3  }
0x3a: {  	_ = 	snop  }
0x3b: {  	_ = 	snop  }
0x3c: {  	p2 =	seq.s32 s10, $0x1;
	s10 =	sld [smem:$0x3F9D]  }
0x3d: {  	_ =	shalt  }
0x3e: {  	_ =	shalt  }
0x3f: {  	_ =	shalt  }
0x40: {  	_ =	shalt  }
0x41: {  	_ =	shalt  }
0x42: {  	_ =	shalt  }
0x43: {  	_ =	shalt  }
0x44: {  	_ =	shalt  }
0x45: {  	_ =	shalt  }
0x46: {  	_ =	shalt  }
0x47: {  	_ =	shalt  }
0x48: {  	_ =	shalt  }
0x49: {  	_ =	shalt  }
0x4a: {  	_ =	shalt  }
0x4b: {  	_ =	shalt  }
0x4c: {  	_ =	shalt  }
0x4d: {  	_ =	shalt  }
0x4e: {  	_ =	shalt  }
0x4f: {  	_ =	shalt  }
0x50: {  	_ =	shalt  }
0x51: {  	_ =	shalt  }
0x52: {  	_ =	shalt  }
0x53: {  	_ =	shalt  }
0x54: {  	_ =	shalt  }
0x55: {  	_ =	shalt  }
0x56: {  	_ =	shalt  }
0x57: {  	_ =	shalt  }
0x58: {  	_ =	shalt  }
0x59: {  	_ =	shalt  }
0x5a: {  	_ =	shalt  }
0x5b: {  	_ =	shalt  }
0x5c: {  	_ =	shalt  }
0x5d: {  	_ =	shalt  }
0x5e: {  	_ =	shalt  }
0x5f: {  	_ =	shalt  }
0x60: {  	_ =	shalt  }
0x61: {  	_ =	shalt  }
0x62: {  	_ =	shalt  }
0x63: {  	_ =	shalt  }
0x64: {  	_ =	shalt  }
0x65: {  	_ =	shalt  }
0x66: {  	_ =	shalt  }
0x67: {  	_ =	shalt  }
0x68: {  	_ =	shalt  }
0x69: {  	_ =	shalt  }
0x6a: {  	_ =	shalt  }
0x6b: {  	_ =	shalt  }
0x6c: {  	_ =	shalt  }
0x6d: {  	_ =	shalt  }
0x6e: {  	_ =	shalt  }
0x6f: {  	_ =	shalt  }
0x70: {  	_ =	shalt  }
0x71: {  	_ =	shalt  }
0x72: {  	_ =	shalt  }
0x73: {  	_ =	shalt  }
0x74: {  	_ =	shalt  }
0x75: {  	_ =	shalt  }
0x76: {  	_ =	shalt  }
0x77: {  	_ =	shalt  }
0x78: {  	_ =	shalt  }
0x79: {  	_ =	shalt  }
0x7a: {  	_ =	shalt  }
0x7b: {  	_ =	shalt  }
0x7c: {  	_ =	shalt  }
0x7d: {  	_ =	shalt  }
0x7e: {  	_ =	shalt  }
0x7f: {  	_ =	shalt  }
0x80: {  	_ =	shalt  }
0x81: {  	_ =	shalt  }
0x82: {  	_ =	shalt  }
0x83: {  	_ =	shalt  }
0x84: {  	_ =	shalt  }
0x85: {  	_ =	shalt  }
0x86: {  	_ =	shalt  }
0x87: {  	_ =	shalt  }
.Lfunc_end0:
.L_simem_size_0:
called_computation.3_lowered:
.L_overlay_start_0:
0x88: {  	s2 =	sld [smem:$0x3FD9]  }
0x89: {  	s3 =	sld [smem:$0x3FFE];
	_ =	sdelay $0x1  }
0x8a: {  	s1 =	srdreg.scid  }
0x8b: {  	s0 =	sand.u32 $0x1, s1  }
0x8c: {  	s16 =	sshll.u32 s0, $0xA;
	s2 =	sadd.s32 s3, s2  }
0x8d: {  	s2 =	sadd.s32 s2, s16  }
0x8e: {  	[smem:$0x3FA9] =	sst s2  }
0x8f: {  	_ = 	snop  }
0x90: {  	(tm) =	ssettm $0x1  }
0x91: {  	s17 =	sld [smem:$0x3FFB];
	_ =	sdelay $0x3  }
0x92: {  	_ =	strace s17  }
0x93: {  	s2 =	sld [smem:$0x3FFC];
	_ =	sdelay $0x3  }
0x94: {  	_ =	strace s2  }
0x95: {  	s2 =	sld [smem:$0x3FFD];
	_ =	sdelay $0x3  }
0x96: {  	_ =	strace s2  }
0x97: {  	_ =	strace $0x8FFFFFFF  }
0x98: {  	s18 =	sld [smem:$0x3FDB];
	_ =	sdelay $0x1  }
0x99: {  	s19 =	simm.s32 $_scs_section_size  }
0x9a: {  	s4 =	simm.s32 $_size__tile_overlayer_lowered;
	s5 =	simm.s32 $_tile_overlayer_lowered  }
0x9b: {  	s22 =	simm.s32 $0x1BFF;
	s21 =	sshll.u32 s5, $0x1;
	s2 =	sadd.s32 s19, s18  }
0x9c: {  	s6 =	simm.s32 $0x0;
	s20 =	sshll.u32 s4, $0x1;
	s4 =	sadd.s32 s21, s2  }
0x9d: {  	[timem:s6], [sflag:s22] =	dma.local [hbm:s4], s20  }
0x9e: {  	_ =	swait.ge [sflag:s22], s20  }
0x9f: {  	s3 =	ssub.s32 $0x0, s20;
	[sflag:s22] =	ssyncset.done $0x0  }
0xa0: {  	[sflag:s22] =	ssyncadd.s32 s3;
	_ =	sdelay $0x1  }
0xa1: {  	s23 =	simm.s32 $0x1B8B  }
0xa2: {  	_ =	swait.ge [sflag:s23], $0x1  }
0xa3: {  	[sflag:s23] =	ssyncset.done $0x0  }
0xa4: {  	s25 =	simm.s32 $0x1B8E;
	s24 =	sld [smem:$0x3FFE];
	[sflag:s23] =	ssyncadd.s32 $0xFFFFFFFF  }
0xa5: {  	s26 =	simm.s32 $execute0_lowered;
	[smem:$0x3FD2] =	sst s25  }
0xa6: {  	s4 =	sshll.u32 s26, $0x1;
	_ =	strace $0x8000004F;
	[dreg:$0x1] =	wrdreg $0xFFFFFFFF  }
0xa7: {  	s28 =	simm.s32 $_size_execute0_lowered;
	s2 =	sadd.s32 s2, s4;
	[dreg:$0x0] =	wrdreg $0x0  }
0xa8: {  	s4 =	sshll.u32 s28, $0x1;
	[dreg:$0x2] =	wrdreg s2  }
0xa9: {  	[dreg:$0x3] =	wrdreg s4  }
0xaa: {  	[dreg:$0x4] =	wrdreg $0xC0  }
0xab: {  	_ =	task [dreg:s6], $0x5FFFF  }
0xac: {  	[dreg:$0x1] =	wrdreg $0xFFFFFFFF  }
0xad: {  	[dreg:$0x0] =	wrdreg $0x60  }
0xae: {  	[dreg:$0x2] =	wrdreg s24  }
0xaf: {  	[dreg:$0x3] =	wrdreg $0x9  }
0xb0: {  	_ =	task.clear_ibuf [dreg:s6], $0x4FFFF;
	_ =	strace $0x9000004F  }
0xb1: {  	s29 =	simm.s32 $0x9;
	_ =	strace $0x80000051  }
0xb2: {  	_ =	swait.ge [sflag:s29], $0x1  }
0xb3: {  	[sflag:s29] =	ssyncadd.s32 $0xFFFFFFFF  }
0xb4: {  	_ =	strace $0x90000051  }
0xb5: {  	_ =	sfence  }
0xb6: {  	s30 =	sld [smem:$0x0];
	_ =	sdelay $0x2  }
0xb7: {  	s31 =	sshll.u32 s1, $0xD;
	s1 =	sshrl.u32 s1, $0x2  }
0xb8: {  	s3 =	sand.u32 $0x4000, s31;
	s1 =	sadd.s32 s1, s30  }
0xb9: {  	s0 =	sor.u32 s3, s0;
	s1 =	sshll.u32 s1, $0x11  }
0xba: {  	s0 =	sor.u32 s1, s0  }
0xbb: {  	s0 =	sadd.s32 $0x8F2B, s0  }
0xbc: {  	[sflag:s0] =	ssyncadd.remote.s32 $0x1  }
0xbd: {  	_ =	sfence.sel $0xFFFF  }
0xbe: {  	[dreg:$0x0] =	wrdreg $0xFFFFFFFF;
	(pc) =	sbr.abs _section_cstart, $3  }
0xbf: {  	[dreg:$0x1] =	wrdreg $0xFFFFFFFF  }
0xc0: {  	_ =	task.clear_ibuf [dreg:s6], $0x2FFFF;
	_ =	strace $0x9FFFFFFF  }
0xc1: {  	(tm) =	ssettm $0x7FFFFFFF  }
tec
execute0_lowered:
.L_overlay_start_1:
0x0: {  	(tag) =	ssettag $0x1  }
0x1: {  	s8 =	rddreg [dreg:$0x0];
	s1 =	stileid.u32  }
0x2: {  	s2 =	srdreg.scid;
	s0 =	rddreg [dreg:$0x1]  }
0x3: {  	_ =	strace $0x80000050;
	s5 =	simm.s32 $0x1;
	s9 =	simm.s32 $0x1  }
0x4: {  	s10 =	simm.s32 $0x3;
	s2 =	sand.u32 $0x1, s2;
	s3 =	sshll.u32 s1, $0x1  }
0x5: {  	s13 =	simm.s32 $0x0;
	s12 =	simm.s32 $0x0;
	s6 =	sor.u32 s3, s2  }
0x6: {  	[sflag:s5] =	ssyncpa.u1 $0x0;
	s2 =	sadd.s32 $0x4FA00, s8;
	s4 =	smul.u32 $0x2710, s6  }
0x7: {  	s3 =	sadd.s32 $0xC84C00, s8;
	p0 =	slt.u32 s6, $0x9;
	s6 =	simm.s32 $0x4E200  }
.Ltmp0:
0x8: {  	s6 =	simm.s32 @!p0 $0x0;
	s7 =	ssub.s32 $0x61A80, s4;
	(pc) =	sbr.rel .LBB2_1-.Ltmp0, $4  }
0x9: {  	s9 =	simm.s32 @!p0 $0x0;
	p0 =	sne.s32 s7, s6;
	s7 =	simm.s32 $0x1  }
0xa: {  	s8 =	sadd.s32 $0xCD3400, s8;
	s6 =	simm.s32 $0x2;
	s7 =	simm.s32 @!p0 $0x0  }
0xb: {  	s11 =	smov.u32 s4;
	[sflag:s6] =	ssyncpa.u1 $0x0;
	s7 =	sadd.s32 s9, s7  }
0xc: {  	vm0 =	vmmov $0xffff;
	[sflag:s10] =	ssyncpa.u1 $0x0;
	s10 =	simm.s32 $0x0;
	s9 =	sadd.s32 $0x1, s7  }
.LBB2_4:
0xd: {  	vm1 =	veq.s32 v4, $0x80000000;
	v56 =	vand.u32 $0x3FFF, v4;
	v6 =	vand.u32 $0x3FFF, v6  }
0xe: {  	v2 =	vor.u32 v2, v5;
	v59 =	vshrl.u32 v1, $0xE;
	v60 =	vand.u32 $0x3FFF, v1  }
0xf: {  	v4 =	vsel vm1, $0xFFFFFFFF, v56;
	v6 =	vsel vm1, $0xFFFFFFFF, v6;
	v2 =	vor.u32 v3, v2  }
0x10: {  	vm1 =	veq.s32 v1, $0x80000000;
	v5 =	vand.u32 $0x3FFF, v59;
	v7 =	vshrl.u32 v4, $0x3  }
0x11: {  	v57 =	vshll.u32 v6, $0x3;
	v4 =	vshll.u32 v4, $0x7;
	v1 =	vsel vm1, $0xFFFFFFFF, v60  }
0x12: {  	v5 =	vsel vm1, $0xFFFFFFFF, v5;
	v6 =	vand.u32 $0x7F, v6;
	v7 =	vmul.u32 $0x13C00, v7  }
0x13: {  	v58 =	vand.u32 $0xFFFFFC00, v57;
	v4 =	vand.u32 $0x380, v4;
	v61 =	vshrl.u32 v1, $0x3  }
0x14: {  	v62 =	vshll.u32 v5, $0x3;
	v3 =	vadd.s32 v7, v58;
	v7 =	vmul.u32 $0x13C00, v61  }
0x15: {  	v1 =	vshll.u32 v1, $0x7;
	v3 =	vor.u32 v4, v3;
	v4 =	vand.u32 $0xFFFFFC00, v62  }
0x16: {  	v1 =	vand.u32 $0x380, v1;
	v3 =	vor.u32 v6, v3;
	v4 =	vadd.s32 v7, v4  }
0x17: {  	[tilespmem:s16], [sflag:$0x1] =	stream.indirect_vreg.gather [hbm4b:s2+s10], $0x1, v0, vm0, $0x4038;
	v63 =	vand.u32 $0x7F, v5;
	v1 =	vor.u32 v1, v4;
	[tilespmem:$0x9C40] =	vst v63  }
0x18: {  	s15 =	sadd.s32 $0x10, s15;
	(ifvalue) =	ssetifvalue $0x7FFFFFFF;
	v0 =	vor.u32 v63, v1  }
0x19: {  	[tilespmem:s15], [sflag:$0x1] =	stream.indirect_vreg.gather [hbm4b:s2+s10], $0x1, v2, vm0, $0x4038;
	[tilespmem:$0x9C40] =	vst v63  }
0x1a: {  	s15 =	sadd.s32 $0x10, s15;
	(ifvalue) =	ssetifvalue $0x7FFFFFFF  }
0x1b: {  	[tilespmem:s15], [sflag:$0x1] =	stream.indirect_vreg.gather [hbm4b:s2+s10], $0x1, v3, vm0, $0x4038;
	[tilespmem:$0x9C40] =	vst v63  }
0x1c: {  	s15 =	sadd.s32 $0x10, s15;
	(ifvalue) =	ssetifvalue $0x7FFFFFFF  }
0x1d: {  	[tilespmem:s15], [sflag:$0x1] =	stream.indirect_vreg.gather [hbm4b:s2+s10], $0x1, v0, vm0, $0x4038;
	[tilespmem:$0x9C40] =	vst v63  }
0x1e: {  	_ =	swait.ge [sflag:s5], $0x2710  }
0x1f: {  	s30 =	sshrl.u32 s13, $0x3;
	[sflag:s5] =	ssyncset.done $0x0  }
0x20: {  	s31 =	sand.u32 $0x7, s13;
	s15 =	sadd.s32 s8, s30;
	[sflag:s5] =	ssyncadd.s32 $0xFFFFD8F0  }
0x21: {  	[hbm4b:s15+s31] =	stream.linear.scatter [tilespmem:s14], [sflag:$0x3], $0x2710, $0x38;
	[tilespmem:$0x9C40] =	vst v63  }
.LBB2_5:
0x22: {  	s15 =	sadd.s32 $0x4E200, s11  }
0x23: {  	p1 =	sgt.s32 s15, $0x61A7F  }
0x24: {  	s15 =	smov.u32 @p1 s4;
	p1 =	sne.s32 s12, s9  }
.Ltmp1:
0x25: {  	p0 =	slt.u32 s12, $0x2;
	(pc) =	sbr.rel @!p1 .LBB2_6-.Ltmp1, $4  }
0x26: {  	s14 =	simm.s32 @!p0 $0x3  }
0x27: {  	_ =	swait.ge @!p0 [sflag:s14], $0x2710  }
0x28: {  	s16 =	sadd.s32 $0x1, s12;
	s13 =	smov.u32 s11;
	[sflag:s14] =	ssyncset.done @!p0 $0x0  }
0x29: {  	s12 =	smov.u32 s16;
	s11 =	smov.u32 s15;
	[sflag:s14] =	ssyncadd.s32 @!p0 $0xFFFFD8F0  }
.LBB2_1:
0x2a: {  	p0 =	sge.u32 s12, s7  }
0x2b: {  	s14 =	sxor.u32 @!p0 $0x1, s12  }
0x2c: {  	s14 =	smul.u32 @!p0 $0x9C40, s14  }
0x2d: {  	s31 =	sadd.s32 $0xFFFFFFFF, s12;
	s15 =	sshrl.u32 @!p0 s11, $0x3  }
0x2e: {  	s16 =	sand.u32 @!p0 $0x7, s11;
	s15 =	sadd.s32 @!p0 s3, s15;
	s14 =	sshra.s32 @!p0 s14, $0x2  }
0x2f: {  	[tilespmem:s14], [sflag:$0x2] =	stream.linear.gather @!p0 [hbm4b:s15+s16], $0x2710, $0x38;
	[tilespmem:$0x9C40] =	vst v63  }
0x30: {  	p0 =	sge.u32 s31, s7  }
.Ltmp2:
0x31: {  	_ = 	snop;
	(pc) =	sbr.rel @p0 .LBB2_5-.Ltmp2, $1  }
0x32: {  	_ =	sdelay $0x3  }
0x33: {  	s14 =	sand.u32 $0x1, s12  }
0x34: {  	_ =	swait.ge [sflag:s6], $0x2710;
	p0 =	seq.s32 s14, $0x1;
	s14 =	simm.s32 $0x2710  }
0x35: {  	[sflag:s6] =	ssyncset.done $0x0;
	s14 =	simm.s32 @!p0 $0x0  }
0x36: {  	[sflag:s6] =	ssyncadd.s32 $0xFFFFD8F0;
	(ifvalue) =	ssetifvalue $0x7FFFFFFF;
	v0 =	vld.msk [tilespmem:s14+$0x0 ss:$0x1], $0xffff  }
0x37: {  	s15 =	sadd.s32 $0x10, s14  }
0x38: {  	v1 =	vld.msk [tilespmem:s15+$0x0 ss:$0x1], $0xffff;
	_ =	sdelay $0x2  }
0x39: {  	v2 =	vshrl.u32 v0, $0xE  }
0x3a: {  	vm1 =	veq.s32 v0, $0x80000000;
	v0 =	vand.u32 $0x3FFF, v0;
	v2 =	vand.u32 $0x3FFF, v2  }
0x3b: {  	v0 =	vsel vm1, $0xFFFFFFFF, v0;
	v6 =	vshrl.u32 v1, $0xE;
	v2 =	vsel vm1, $0xFFFFFFFF, v2  }
0x3c: {  	v3 =	vshrl.u32 v0, $0x3;
	v0 =	vshll.u32 v0, $0x7;
	vm1 =	veq.s32 v1, $0x80000000  }
0x3d: {  	s15 =	sadd.s32 $0x10, s15;
	v1 =	vand.u32 $0x3FFF, v1;
	v4 =	vshll.u32 v2, $0x3;
	v3 =	vmul.u32 $0x13C00, v3  }
0x3e: {  	v0 =	vand.u32 $0x380, v0;
	v7 =	vand.u32 $0x7F, v2;
	v5 =	vand.u32 $0xFFFFFC00, v4;
	v4 =	vld.msk [tilespmem:s15+$0x0 ss:$0x1], $0xffff  }
0x3f: {  	v1 =	vsel vm1, $0xFFFFFFFF, v1;
	v2 =	vadd.s32 v3, v5;
	v3 =	vand.u32 $0x3FFF, v6  }
0x40: {  	v3 =	vsel vm1, $0xFFFFFFFF, v3;
	v0 =	vor.u32 v0, v2;
	v2 =	vshrl.u32 v1, $0x3  }
0x41: {  	v1 =	vshll.u32 v1, $0x7;
	v5 =	vshll.u32 v3, $0x3;
	v8 =	vmul.u32 $0x13C00, v2  }
0x42: {  	s18 =	simm.s32 $0x30;
	s14 =	sadd.s32 $0x4E20, s14;
	s17 =	sadd.s32 $0x10, s15;
	v2 =	vand.u32 $0x380, v1;
	v0 =	vor.u32 v7, v0;
	v5 =	vand.u32 $0xFFFFFC00, v5  }
0x43: {  	s16 =	smov.u32 s14;
	s15 =	smov.u32 s14;
	v1 =	vld.msk [tilespmem:s17+$0x0 ss:$0x1], $0xffff;
	v3 =	vand.u32 $0x7F, v3;
	(ifvalue) =	ssetifvalue $0x7FFFFFFF;
	v6 =	vshrl.u32 v4, $0xE;
	v5 =	vadd.s32 v8, v5  }
.LBB2_3:
0x44: {  	s18 =	sadd.s32 $0x10, s18  }
0x45: {  	vm1 =	veq.s32 v4, $0x80000000;
	v4 =	vand.u32 $0x3FFF, v4;
	v6 =	vand.u32 $0x3FFF, v6;
	s15 =	sadd.s32 $0x10, s15;
	p0 =	slt.u32 s18, $0x2700  }
.Ltmp3:
0x46: {  	v5 =	vor.u32 v2, v5;
	v4 =	vsel vm1, $0xFFFFFFFF, v4;
	v7 =	vsel vm1, $0xFFFFFFFF, v6;
	(pc) =	sbr.rel @p0 .LBB2_3-.Ltmp3, $4  }
0x47: {  	v2 =	vshrl.u32 v4, $0x3;
	v6 =	vshll.u32 v7, $0x3;
	v4 =	vshll.u32 v4, $0x7;
	[tilespmem:s16], [sflag:$0x1] =	stream.indirect_vreg.gather [hbm4b:s2+s10], $0x1, v0, vm0, $0x4038;
	[tilespmem:$0x9C40] =	vst v63  }
0x48: {  	v0 =	vor.u32 v3, v5;
	s16 =	smov.u32 s15;
	v8 =	vmul.u32 $0x13C00, v2;
	v2 =	vand.u32 $0x380, v4  }
0x49: {  	s17 =	sadd.s32 $0x10, s17;
	v9 =	vand.u32 $0xFFFFFC00, v6  }
0x4a: {  	v3 =	vand.u32 $0x7F, v7;
	v6 =	vshrl.u32 v1, $0xE;
	v5 =	vadd.s32 v8, v9;
	(ifvalue) =	ssetifvalue $0x7FFFFFFF;
	v4 =	vmovc v1;
	v1 =	vld.msk [tilespmem:s17+$0x0 ss:$0x1], $0xffff  }
.Ltmp4:
0x4b: {  	_ = 	snop;
	(pc) =	sbr.rel .LBB2_4-.Ltmp4, $1  }
0x4c: {  	_ =	sdelay $0x3  }
.LBB2_6:
0x4d: {  	_ =	sfence.sel $0x180000  }
0x4e: {  	s2 =	simm.s32 $0x2;
	[bflag:$0x0] =	sbarrier.arrive $0xFFFF  }
0x4f: {  	s30 =	simm.s32 $0x3;
	[sflag:s2] =	ssyncpa.u1 $0x1  }
0x50: {  	s31 =	simm.s32 $0x1;
	[sflag:s30] =	ssyncpa.u1 $0x1  }
0x51: {  	[sflag:s31] =	ssyncpa.u1 $0x1  }
0x52: {  	p0 =	sne.s32 s1, $0x0;
	_ =	strace $0x90000050  }
0x53: {  	s0 =	sadd.s32 @!p0 $0x100000, s0;
	[bflag:$0x2] =	sbarrier.arrive $0xFFFF  }
0x54: {  	[sflag:s0] =	ssyncadd.tile.s32 @!p0 $0x1;
	_ =	shalt  }
.Lfunc_end2:
_tile_overlayer_lowered:
.L_overlay_start_2:
0x55: {  	(tag) =	ssettag $0x2  }
0x56: {  	s0 =	rddreg [dreg:$0x0];
	s2 =	stileid.u32  }
0x57: {  	s1 =	rddreg [dreg:$0x1];
	p0 =	sne.s32 s2, $0x0  }
0x58: {  	s3 =	rddreg [dreg:$0x2];
	[bflag:$0x3] =	sbarrier.arrive $0xFFFF;
	s2 =	simm.s32 @!p0 $0x1C01  }
0x59: {  	[timem:s3], [sflag:s2] =	dma.local @!p0 [hbm:s0], s1  }
0x5a: {  	s0 =	simm.s32 @!p0 $0x1  }
0x5b: {  	_ =	swait.ge @!p0 [sflag:s0], s1  }
0x5c: {  	s1 =	ssub.s32 @!p0 $0x0, s1;
	[sflag:s0] =	ssyncset.done @!p0 $0x0  }
0x5d: {  	[sflag:s0] =	ssyncadd.s32 @!p0 s1  }
0x5e: {  	[bflag:$0x3] =	sbarrier.arrive $0xFFFF  }
0x5f: {  	_ =	shalt  }

// kernel: gather_offload_async_start
scs
__scs_entry_jumppad:
0x0: {  	(pc) =	sbr.rel $0x88, $3  }
0x1: {  	(tag) =	ssettag $0x0;
	lr =	simm.s32 $0x1  }
0x2: {  	[smem:$0x3F82] =	sst lr;
	_ =	strace $0xD0000000  }
0x3: {  	_ = 	snop  }
0x4: {  	_ = 	snop  }
0x5: {  	_ = 	snop  }
0x6: {  	_ = 	snop  }
0x7: {  	_ = 	snop  }
__scs_overlays_trampoline_lowered:
0x8: {  	[smem:$0x3F91] =	sst s0  }
0x9: {  	[smem:$0x3F92] =	sst s1  }
0xa: {  	[smem:$0x3F93] =	sst s2  }
0xb: {  	[smem:$0x3F94] =	sst s3  }
0xc: {  	[smem:$0x3F95] =	sst s4  }
0xd: {  	[smem:$0x3F96] =	sst s5  }
0xe: {  	[smem:$0x3F97] =	sst s6  }
0xf: {  	[smem:$0x3F98] =	sst s7  }
0x10: {  	[smem:$0x3F99] =	sst s8  }
0x11: {  	[smem:$0x3F9A] =	sst s9;
	s0 =	simm.s32 @!p0 $0x0  }
0x12: {  	s1 =	sld [smem:$0x3F80];
	s0 =	simm.s32 @p0 $0x1  }
0x13: {  	[smem:$0x3F9B] =	sst s0;
	s0 =	simm.s32 @!p1 $0x0  }
0x14: {  	s2 =	sld [smem:$0x3F7F];
	s0 =	simm.s32 @p1 $0x1  }
0x15: {  	[smem:$0x3F9C] =	sst s0;
	s0 =	simm.s32 @!p2 $0x0  }
0x16: {  	s3 =	sld [smem:$0x3FDB];
	s0 =	simm.s32 @p2 $0x1  }
0x17: {  	s4 =	simm.s32 $0x1BF5;
	[smem:$0x3F9E] =	sst s0  }
0x18: {  	s0 =	sld [smem:$0x3F81];
	_ =	swait.ge [sflag:s4], $0x0  }
0x19: {  	s7 =	sld [smem:$0x3F82]  }
0x1a: {  	s8 =	sadd.s32 $0xFFFFE003, lr  }
0x1b: {  	s9 =	sadd.s32 $0xFFFFFEF7, lr;
	s5 =	simm.s32 $0xFFFFFFFF;
	p2 =	slt.u32 s8, $0xFFFFF086  }
0x1c: {  	p1 =	slt.u32 s9, $0xF7A;
	s5 =	simm.s32 @!p2 $0x0  }
0x1d: {  	s5 =	simm.s32 @p1 $0x1;
	p0 =	seq.s32 s7, s2  }
0x1e: {  	s7 =	smul.u32 @!p0 $0xF7A, s2;
	p2 =	seq.s32 @!p0 s5, $0x0  }
0x1f: {  	s9 =	smul.u32 $0xF7A, s1;
	s8 =	simm.s32 @!p0 $0x1BF5;
	p2 =	por !p2, p0  }
0x20: {  	[sflag:s8] =	ssyncset.s32 @!p0 $0xFFFFF086;
	s6 =	sadd.s32 @!p0 s3, s7;
	s7 =	simm.s32 @!p0 $0x108  }
0x21: {  	s3 =	sadd.s32 s3, s9;
	s6 =	sadd.s32 @!p0 $0x88, s6;
	s7 =	simm.s32 @p2 $0x1082  }
0x22: {  	[simem:s7], [sflag:s8] =	dma.local @!p0 [hbm:s6], $0xF7A  }
0x23: {  	s9 =	sor.u32 $0xD0000000, s2;
	s6 =	simm.s32 $0x108;
	_ =	swait.ge @!p0 [sflag:s8], $0x0  }
0x24: {  	s3 =	sadd.s32 $0x88, s3;
	s6 =	simm.s32 @!p1 $0x1082;
	[sflag:s4] =	ssyncset.s32 $0xFFFFF086  }
0x25: {  	[simem:s6], [sflag:s4] =	dma.local [hbm:s3], $0xF7A  }
0x26: {  	[smem:$0x3F82] =	sst s1;
	(tag) =	ssettag s2;
	_ =	strace s9  }
0x27: {  	s1 =	sld [smem:$0x3F92]  }
0x28: {  	s2 =	sld [smem:$0x3F93]  }
0x29: {  	s4 =	sld [smem:$0x3F95]  }
0x2a: {  	p0 =	seq.s32 s5, $0x0;
	s5 =	sld [smem:$0x3F96]  }
0x2b: {  	s6 =	sld [smem:$0x3F97]  }
0x2c: {  	s7 =	sld [smem:$0x3F98]  }
0x2d: {  	s3 =	simm.s32 $0x108;
	s8 =	sld [smem:$0x3F99]  }
0x2e: {  	s3 =	simm.s32 @!p0 $0x1082;
	s9 =	sld [smem:$0x3F9A]  }
0x2f: {  	lr =	sadd.s32 s0, s3;
	s0 =	sld [smem:$0x3F91]  }
0x30: {  	s3 =	sld [smem:$0x3F94]  }
0x31: {  	[smem:$0x3F9D] =	sst s10  }
0x32: {  	s10 =	sld [smem:$0x3F9B];
	_ =	sdelay $0x3  }
0x33: {  	p0 =	seq.s32 s10, $0x1;
	s10 =	sld [smem:$0x3F9D];
	_ =	sdelay $0x3  }
0x34: {  	[smem:$0x3F9D] =	sst s10  }
0x35: {  	s10 =	sld [smem:$0x3F9C];
	_ =	sdelay $0x3  }
0x36: {  	p1 =	seq.s32 s10, $0x1;
	s10 =	sld [smem:$0x3F9D];
	_ =	sdelay $0x3  }
0x37: {  	[smem:$0x3F9D] =	sst s10  }
0x38: {  	s10 =	sld [smem:$0x3F9E]  }
0x39: {  	_ = 	snop;
	(pc) =	sbr.ind lr, $3  }
0x3a: {  	_ = 	snop  }
0x3b: {  	_ = 	snop  }
0x3c: {  	p2 =	seq.s32 s10, $0x1;
	s10 =	sld [smem:$0x3F9D]  }
0x3d: {  	_ =	shalt  }
0x3e: {  	_ =	shalt  }
0x3f: {  	_ =	shalt  }
0x40: {  	_ =	shalt  }
0x41: {  	_ =	shalt  }
0x42: {  	_ =	shalt  }
0x43: {  	_ =	shalt  }
0x44: {  	_ =	shalt  }
0x45: {  	_ =	shalt  }
0x46: {  	_ =	shalt  }
0x47: {  	_ =	shalt  }
0x48: {  	_ =	shalt  }
0x49: {  	_ =	shalt  }
0x4a: {  	_ =	shalt  }
0x4b: {  	_ =	shalt  }
0x4c: {  	_ =	shalt  }
0x4d: {  	_ =	shalt  }
0x4e: {  	_ =	shalt  }
0x4f: {  	_ =	shalt  }
0x50: {  	_ =	shalt  }
0x51: {  	_ =	shalt  }
0x52: {  	_ =	shalt  }
0x53: {  	_ =	shalt  }
0x54: {  	_ =	shalt  }
0x55: {  	_ =	shalt  }
0x56: {  	_ =	shalt  }
0x57: {  	_ =	shalt  }
0x58: {  	_ =	shalt  }
0x59: {  	_ =	shalt  }
0x5a: {  	_ =	shalt  }
0x5b: {  	_ =	shalt  }
0x5c: {  	_ =	shalt  }
0x5d: {  	_ =	shalt  }
0x5e: {  	_ =	shalt  }
0x5f: {  	_ =	shalt  }
0x60: {  	_ =	shalt  }
0x61: {  	_ =	shalt  }
0x62: {  	_ =	shalt  }
0x63: {  	_ =	shalt  }
0x64: {  	_ =	shalt  }
0x65: {  	_ =	shalt  }
0x66: {  	_ =	shalt  }
0x67: {  	_ =	shalt  }
0x68: {  	_ =	shalt  }
0x69: {  	_ =	shalt  }
0x6a: {  	_ =	shalt  }
0x6b: {  	_ =	shalt  }
0x6c: {  	_ =	shalt  }
0x6d: {  	_ =	shalt  }
0x6e: {  	_ =	shalt  }
0x6f: {  	_ =	shalt  }
0x70: {  	_ =	shalt  }
0x71: {  	_ =	shalt  }
0x72: {  	_ =	shalt  }
0x73: {  	_ =	shalt  }
0x74: {  	_ =	shalt  }
0x75: {  	_ =	shalt  }
0x76: {  	_ =	shalt  }
0x77: {  	_ =	shalt  }
0x78: {  	_ =	shalt  }
0x79: {  	_ =	shalt  }
0x7a: {  	_ =	shalt  }
0x7b: {  	_ =	shalt  }
0x7c: {  	_ =	shalt  }
0x7d: {  	_ =	shalt  }
0x7e: {  	_ =	shalt  }
0x7f: {  	_ =	shalt  }
0x80: {  	_ =	shalt  }
0x81: {  	_ =	shalt  }
0x82: {  	_ =	shalt  }
0x83: {  	_ =	shalt  }
0x84: {  	_ =	shalt  }
0x85: {  	_ =	shalt  }
0x86: {  	_ =	shalt  }
0x87: {  	_ =	shalt  }
.Lfunc_end0:
.L_simem_size_0:
called_computation_lowered:
.L_overlay_start_0:
0x88: {  	s2 =	sld [smem:$0x3FD9]  }
0x89: {  	s3 =	sld [smem:$0x3FFE];
	_ =	sdelay $0x1  }
0x8a: {  	s1 =	srdreg.scid  }
0x8b: {  	s0 =	sand.u32 $0x1, s1  }
0x8c: {  	s16 =	sshll.u32 s0, $0xA;
	s2 =	sadd.s32 s3, s2  }
0x8d: {  	s2 =	sadd.s32 s2, s16  }
0x8e: {  	[smem:$0x3FA9] =	sst s2  }
0x8f: {  	_ = 	snop  }
0x90: {  	(tm) =	ssettm $0x1  }
0x91: {  	s17 =	sld [smem:$0x3FFB];
	_ =	sdelay $0x3  }
0x92: {  	_ =	strace s17  }
0x93: {  	s2 =	sld [smem:$0x3FFC];
	_ =	sdelay $0x3  }
0x94: {  	_ =	strace s2  }
0x95: {  	s2 =	sld [smem:$0x3FFD];
	_ =	sdelay $0x3  }
0x96: {  	_ =	strace s2  }
0x97: {  	_ =	strace $0x8FFFFFFF  }
0x98: {  	s18 =	sld [smem:$0x3FDB];
	_ =	sdelay $0x1  }
0x99: {  	s19 =	simm.s32 $_scs_section_size  }
0x9a: {  	s4 =	simm.s32 $_size__tile_overlayer_lowered;
	s5 =	simm.s32 $_tile_overlayer_lowered  }
0x9b: {  	s22 =	simm.s32 $0x1BFF;
	s21 =	sshll.u32 s5, $0x1;
	s2 =	sadd.s32 s19, s18  }
0x9c: {  	s6 =	simm.s32 $0x0;
	s20 =	sshll.u32 s4, $0x1;
	s4 =	sadd.s32 s21, s2  }
0x9d: {  	[timem:s6], [sflag:s22] =	dma.local [hbm:s4], s20  }
0x9e: {  	_ =	swait.ge [sflag:s22], s20  }
0x9f: {  	s3 =	ssub.s32 $0x0, s20;
	[sflag:s22] =	ssyncset.done $0x0  }
0xa0: {  	[sflag:s22] =	ssyncadd.s32 s3;
	_ =	sdelay $0x1  }
0xa1: {  	s23 =	simm.s32 $0x1B8B  }
0xa2: {  	_ =	swait.ge [sflag:s23], $0x1  }
0xa3: {  	[sflag:s23] =	ssyncset.done $0x0  }
0xa4: {  	s25 =	simm.s32 $0x1B8E;
	s24 =	sld [smem:$0x3FFE];
	[sflag:s23] =	ssyncadd.s32 $0xFFFFFFFF  }
0xa5: {  	s26 =	simm.s32 $execute0_lowered;
	[smem:$0x3FD2] =	sst s25  }
0xa6: {  	s4 =	sshll.u32 s26, $0x1;
	_ =	strace $0x80000046;
	[dreg:$0x1] =	wrdreg $0xFFFFFFFF  }
0xa7: {  	s28 =	simm.s32 $_size_execute0_lowered;
	s2 =	sadd.s32 s2, s4;
	[dreg:$0x0] =	wrdreg $0x0  }
0xa8: {  	s4 =	sshll.u32 s28, $0x1;
	[dreg:$0x2] =	wrdreg s2  }
0xa9: {  	[dreg:$0x3] =	wrdreg s4  }
0xaa: {  	[dreg:$0x4] =	wrdreg $0xC0  }
0xab: {  	_ =	task [dreg:s6], $0x5FFFF  }
0xac: {  	[dreg:$0x1] =	wrdreg $0xFFFFFFFF  }
0xad: {  	[dreg:$0x0] =	wrdreg $0x60  }
0xae: {  	[dreg:$0x2] =	wrdreg s24  }
0xaf: {  	[dreg:$0x3] =	wrdreg $0x9  }
0xb0: {  	_ =	task.clear_ibuf [dreg:s6], $0x4FFFF;
	_ =	strace $0x90000046  }
0xb1: {  	s29 =	simm.s32 $0x9;
	_ =	strace $0x80000048  }
0xb2: {  	_ =	swait.ge [sflag:s29], $0x1  }
0xb3: {  	[sflag:s29] =	ssyncadd.s32 $0xFFFFFFFF  }
0xb4: {  	_ =	strace $0x90000048  }
0xb5: {  	_ =	sfence  }
0xb6: {  	s30 =	sld [smem:$0x0];
	_ =	sdelay $0x2  }
0xb7: {  	s31 =	sshll.u32 s1, $0xD;
	s1 =	sshrl.u32 s1, $0x2  }
0xb8: {  	s3 =	sand.u32 $0x4000, s31;
	s1 =	sadd.s32 s1, s30  }
0xb9: {  	s0 =	sor.u32 s3, s0;
	s1 =	sshll.u32 s1, $0x11  }
0xba: {  	s0 =	sor.u32 s1, s0  }
0xbb: {  	s0 =	sadd.s32 $0x8F2B, s0  }
0xbc: {  	[sflag:s0] =	ssyncadd.remote.s32 $0x1  }
0xbd: {  	_ =	sfence.sel $0xFFFF  }
0xbe: {  	[dreg:$0x0] =	wrdreg $0xFFFFFFFF;
	(pc) =	sbr.abs _section_cstart, $3  }
0xbf: {  	[dreg:$0x1] =	wrdreg $0xFFFFFFFF  }
0xc0: {  	_ =	task.clear_ibuf [dreg:s6], $0x2FFFF;
	_ =	strace $0x9FFFFFFF  }
0xc1: {  	(tm) =	ssettm $0x7FFFFFFF  }
tec
execute0_lowered:
.L_overlay_start_1:
0x0: {  	(tag) =	ssettag $0x1  }
0x1: {  	s8 =	rddreg [dreg:$0x0];
	s1 =	stileid.u32  }
0x2: {  	s2 =	srdreg.scid;
	s0 =	rddreg [dreg:$0x1]  }
0x3: {  	_ =	strace $0x80000047;
	s5 =	simm.s32 $0x1;
	s9 =	simm.s32 $0x1  }
0x4: {  	s10 =	simm.s32 $0x3;
	s2 =	sand.u32 $0x1, s2;
	s3 =	sshll.u32 s1, $0x1  }
0x5: {  	s13 =	simm.s32 $0x0;
	s12 =	simm.s32 $0x0;
	s6 =	sor.u32 s3, s2  }
0x6: {  	[sflag:s5] =	ssyncpa.u1 $0x0;
	s2 =	sadd.s32 $0x1600, s8;
	s4 =	smul.u32 $0x2710, s6  }
0x7: {  	s3 =	sadd.s32 $0xC36800, s8;
	p0 =	slt.u32 s6, $0x9;
	s6 =	simm.s32 $0x4E200  }
.Ltmp0:
0x8: {  	s6 =	simm.s32 @!p0 $0x0;
	s7 =	ssub.s32 $0x61A80, s4;
	(pc) =	sbr.rel .LBB2_1-.Ltmp0, $4  }
0x9: {  	s9 =	simm.s32 @!p0 $0x0;
	p0 =	sne.s32 s7, s6;
	s7 =	simm.s32 $0x1  }
0xa: {  	s8 =	sadd.s32 $0xC76200, s8;
	s6 =	simm.s32 $0x2;
	s7 =	simm.s32 @!p0 $0x0  }
0xb: {  	s11 =	smov.u32 s4;
	[sflag:s6] =	ssyncpa.u1 $0x0;
	s7 =	sadd.s32 s9, s7  }
0xc: {  	vm0 =	vmmov $0xffff;
	[sflag:s10] =	ssyncpa.u1 $0x0;
	s10 =	simm.s32 $0x0;
	s9 =	sadd.s32 $0x1, s7  }
.LBB2_4:
0xd: {  	vm1 =	veq.s32 v4, $0x80000000;
	v56 =	vand.u32 $0x3FFF, v4;
	v6 =	vand.u32 $0x3FFF, v6  }
0xe: {  	v2 =	vor.u32 v2, v5;
	v59 =	vshrl.u32 v1, $0xE;
	v60 =	vand.u32 $0x3FFF, v1  }
0xf: {  	v4 =	vsel vm1, $0xFFFFFFFF, v56;
	v6 =	vsel vm1, $0xFFFFFFFF, v6;
	v2 =	vor.u32 v3, v2  }
0x10: {  	vm1 =	veq.s32 v1, $0x80000000;
	v5 =	vand.u32 $0x3FFF, v59;
	v7 =	vshrl.u32 v4, $0x3  }
0x11: {  	v57 =	vshll.u32 v6, $0x3;
	v4 =	vshll.u32 v4, $0x7;
	v1 =	vsel vm1, $0xFFFFFFFF, v60  }
0x12: {  	v5 =	vsel vm1, $0xFFFFFFFF, v5;
	v6 =	vand.u32 $0x7F, v6;
	v7 =	vmul.u32 $0x13C00, v7  }
0x13: {  	v58 =	vand.u32 $0xFFFFFC00, v57;
	v4 =	vand.u32 $0x380, v4;
	v61 =	vshrl.u32 v1, $0x3  }
0x14: {  	v62 =	vshll.u32 v5, $0x3;
	v3 =	vadd.s32 v7, v58;
	v7 =	vmul.u32 $0x13C00, v61  }
0x15: {  	v1 =	vshll.u32 v1, $0x7;
	v3 =	vor.u32 v4, v3;
	v4 =	vand.u32 $0xFFFFFC00, v62  }
0x16: {  	v1 =	vand.u32 $0x380, v1;
	v3 =	vor.u32 v6, v3;
	v4 =	vadd.s32 v7, v4  }
0x17: {  	[tilespmem:s16], [sflag:$0x1] =	stream.indirect_vreg.gather [hbm4b:s2+s10], $0x1, v0, vm0, $0x4038;
	v63 =	vand.u32 $0x7F, v5;
	v1 =	vor.u32 v1, v4;
	[tilespmem:$0x9C40] =	vst v63  }
0x18: {  	s15 =	sadd.s32 $0x10, s15;
	(ifvalue) =	ssetifvalue $0x7FFFFFFF;
	v0 =	vor.u32 v63, v1  }
0x19: {  	[tilespmem:s15], [sflag:$0x1] =	stream.indirect_vreg.gather [hbm4b:s2+s10], $0x1, v2, vm0, $0x4038;
	[tilespmem:$0x9C40] =	vst v63  }
0x1a: {  	s15 =	sadd.s32 $0x10, s15;
	(ifvalue) =	ssetifvalue $0x7FFFFFFF  }
0x1b: {  	[tilespmem:s15], [sflag:$0x1] =	stream.indirect_vreg.gather [hbm4b:s2+s10], $0x1, v3, vm0, $0x4038;
	[tilespmem:$0x9C40] =	vst v63  }
0x1c: {  	s15 =	sadd.s32 $0x10, s15;
	(ifvalue) =	ssetifvalue $0x7FFFFFFF  }
0x1d: {  	[tilespmem:s15], [sflag:$0x1] =	stream.indirect_vreg.gather [hbm4b:s2+s10], $0x1, v0, vm0, $0x4038;
	[tilespmem:$0x9C40] =	vst v63  }
0x1e: {  	_ =	swait.ge [sflag:s5], $0x2710  }
0x1f: {  	s30 =	sshrl.u32 s13, $0x3;
	[sflag:s5] =	ssyncset.done $0x0  }
0x20: {  	s31 =	sand.u32 $0x7, s13;
	s15 =	sadd.s32 s8, s30;
	[sflag:s5] =	ssyncadd.s32 $0xFFFFD8F0  }
0x21: {  	[hbm4b:s15+s31] =	stream.linear.scatter [tilespmem:s14], [sflag:$0x3], $0x2710, $0x38;
	[tilespmem:$0x9C40] =	vst v63  }
.LBB2_5:
0x22: {  	s15 =	sadd.s32 $0x4E200, s11  }
0x23: {  	p1 =	sgt.s32 s15, $0x61A7F  }
0x24: {  	s15 =	smov.u32 @p1 s4;
	p1 =	sne.s32 s12, s9  }
.Ltmp1:
0x25: {  	p0 =	slt.u32 s12, $0x2;
	(pc) =	sbr.rel @!p1 .LBB2_6-.Ltmp1, $4  }
0x26: {  	s14 =	simm.s32 @!p0 $0x3  }
0x27: {  	_ =	swait.ge @!p0 [sflag:s14], $0x2710  }
0x28: {  	s16 =	sadd.s32 $0x1, s12;
	s13 =	smov.u32 s11;
	[sflag:s14] =	ssyncset.done @!p0 $0x0  }
0x29: {  	s12 =	smov.u32 s16;
	s11 =	smov.u32 s15;
	[sflag:s14] =	ssyncadd.s32 @!p0 $0xFFFFD8F0  }
.LBB2_1:
0x2a: {  	p0 =	sge.u32 s12, s7  }
0x2b: {  	s14 =	sxor.u32 @!p0 $0x1, s12  }
0x2c: {  	s14 =	smul.u32 @!p0 $0x9C40, s14  }
0x2d: {  	s31 =	sadd.s32 $0xFFFFFFFF, s12;
	s15 =	sshrl.u32 @!p0 s11, $0x3  }
0x2e: {  	s16 =	sand.u32 @!p0 $0x7, s11;
	s15 =	sadd.s32 @!p0 s3, s15;
	s14 =	sshra.s32 @!p0 s14, $0x2  }
0x2f: {  	[tilespmem:s14], [sflag:$0x2] =	stream.linear.gather @!p0 [hbm4b:s15+s16], $0x2710, $0x38;
	[tilespmem:$0x9C40] =	vst v63  }
0x30: {  	p0 =	sge.u32 s31, s7  }
.Ltmp2:
0x31: {  	_ = 	snop;
	(pc) =	sbr.rel @p0 .LBB2_5-.Ltmp2, $1  }
0x32: {  	_ =	sdelay $0x3  }
0x33: {  	s14 =	sand.u32 $0x1, s12  }
0x34: {  	_ =	swait.ge [sflag:s6], $0x2710;
	p0 =	seq.s32 s14, $0x1;
	s14 =	simm.s32 $0x2710  }
0x35: {  	[sflag:s6] =	ssyncset.done $0x0;
	s14 =	simm.s32 @!p0 $0x0  }
0x36: {  	[sflag:s6] =	ssyncadd.s32 $0xFFFFD8F0;
	(ifvalue) =	ssetifvalue $0x7FFFFFFF;
	v0 =	vld.msk [tilespmem:s14+$0x0 ss:$0x1], $0xffff  }
0x37: {  	s15 =	sadd.s32 $0x10, s14  }
0x38: {  	v1 =	vld.msk [tilespmem:s15+$0x0 ss:$0x1], $0xffff;
	_ =	sdelay $0x2  }
0x39: {  	v2 =	vshrl.u32 v0, $0xE  }
0x3a: {  	vm1 =	veq.s32 v0, $0x80000000;
	v0 =	vand.u32 $0x3FFF, v0;
	v2 =	vand.u32 $0x3FFF, v2  }
0x3b: {  	v0 =	vsel vm1, $0xFFFFFFFF, v0;
	v6 =	vshrl.u32 v1, $0xE;
	v2 =	vsel vm1, $0xFFFFFFFF, v2  }
0x3c: {  	v3 =	vshrl.u32 v0, $0x3;
	v0 =	vshll.u32 v0, $0x7;
	vm1 =	veq.s32 v1, $0x80000000  }
0x3d: {  	s15 =	sadd.s32 $0x10, s15;
	v1 =	vand.u32 $0x3FFF, v1;
	v4 =	vshll.u32 v2, $0x3;
	v3 =	vmul.u32 $0x13C00, v3  }
0x3e: {  	v0 =	vand.u32 $0x380, v0;
	v7 =	vand.u32 $0x7F, v2;
	v5 =	vand.u32 $0xFFFFFC00, v4;
	v4 =	vld.msk [tilespmem:s15+$0x0 ss:$0x1], $0xffff  }
0x3f: {  	v1 =	vsel vm1, $0xFFFFFFFF, v1;
	v2 =	vadd.s32 v3, v5;
	v3 =	vand.u32 $0x3FFF, v6  }
0x40: {  	v3 =	vsel vm1, $0xFFFFFFFF, v3;
	v0 =	vor.u32 v0, v2;
	v2 =	vshrl.u32 v1, $0x3  }
0x41: {  	v1 =	vshll.u32 v1, $0x7;
	v5 =	vshll.u32 v3, $0x3;
	v8 =	vmul.u32 $0x13C00, v2  }
0x42: {  	s18 =	simm.s32 $0x30;
	s14 =	sadd.s32 $0x4E20, s14;
	s17 =	sadd.s32 $0x10, s15;
	v2 =	vand.u32 $0x380, v1;
	v0 =	vor.u32 v7, v0;
	v5 =	vand.u32 $0xFFFFFC00, v5  }
0x43: {  	s16 =	smov.u32 s14;
	s15 =	smov.u32 s14;
	v1 =	vld.msk [tilespmem:s17+$0x0 ss:$0x1], $0xffff;
	v3 =	vand.u32 $0x7F, v3;
	(ifvalue) =	ssetifvalue $0x7FFFFFFF;
	v6 =	vshrl.u32 v4, $0xE;
	v5 =	vadd.s32 v8, v5  }
.LBB2_3:
0x44: {  	s18 =	sadd.s32 $0x10, s18  }
0x45: {  	vm1 =	veq.s32 v4, $0x80000000;
	v4 =	vand.u32 $0x3FFF, v4;
	v6 =	vand.u32 $0x3FFF, v6;
	s15 =	sadd.s32 $0x10, s15;
	p0 =	slt.u32 s18, $0x2700  }
.Ltmp3:
0x46: {  	v5 =	vor.u32 v2, v5;
	v4 =	vsel vm1, $0xFFFFFFFF, v4;
	v7 =	vsel vm1, $0xFFFFFFFF, v6;
	(pc) =	sbr.rel @p0 .LBB2_3-.Ltmp3, $4  }
0x47: {  	v2 =	vshrl.u32 v4, $0x3;
	v6 =	vshll.u32 v7, $0x3;
	v4 =	vshll.u32 v4, $0x7;
	[tilespmem:s16], [sflag:$0x1] =	stream.indirect_vreg.gather [hbm4b:s2+s10], $0x1, v0, vm0, $0x4038;
	[tilespmem:$0x9C40] =	vst v63  }
0x48: {  	v0 =	vor.u32 v3, v5;
	s16 =	smov.u32 s15;
	v8 =	vmul.u32 $0x13C00, v2;
	v2 =	vand.u32 $0x380, v4  }
0x49: {  	s17 =	sadd.s32 $0x10, s17;
	v9 =	vand.u32 $0xFFFFFC00, v6  }
0x4a: {  	v3 =	vand.u32 $0x7F, v7;
	v6 =	vshrl.u32 v1, $0xE;
	v5 =	vadd.s32 v8, v9;
	(ifvalue) =	ssetifvalue $0x7FFFFFFF;
	v4 =	vmovc v1;
	v1 =	vld.msk [tilespmem:s17+$0x0 ss:$0x1], $0xffff  }
.Ltmp4:
0x4b: {  	_ = 	snop;
	(pc) =	sbr.rel .LBB2_4-.Ltmp4, $1  }
0x4c: {  	_ =	sdelay $0x3  }
.LBB2_6:
0x4d: {  	_ =	sfence.sel $0x180000  }
0x4e: {  	s2 =	simm.s32 $0x2;
	[bflag:$0x0] =	sbarrier.arrive $0xFFFF  }
0x4f: {  	s30 =	simm.s32 $0x3;
	[sflag:s2] =	ssyncpa.u1 $0x1  }
0x50: {  	s31 =	simm.s32 $0x1;
	[sflag:s30] =	ssyncpa.u1 $0x1  }
0x51: {  	[sflag:s31] =	ssyncpa.u1 $0x1  }
0x52: {  	p0 =	sne.s32 s1, $0x0;
	_ =	strace $0x90000047  }
0x53: {  	s0 =	sadd.s32 @!p0 $0x100000, s0;
	[bflag:$0x2] =	sbarrier.arrive $0xFFFF  }
0x54: {  	[sflag:s0] =	ssyncadd.tile.s32 @!p0 $0x1;
	_ =	shalt  }
.Lfunc_end2:
_tile_overlayer_lowered:
.L_overlay_start_2:
0x55: {  	(tag) =	ssettag $0x2  }
0x56: {  	s0 =	rddreg [dreg:$0x0];
	s2 =	stileid.u32  }
0x57: {  	s1 =	rddreg [dreg:$0x1];
	p0 =	sne.s32 s2, $0x0  }
0x58: {  	s3 =	rddreg [dreg:$0x2];
	[bflag:$0x3] =	sbarrier.arrive $0xFFFF;
	s2 =	simm.s32 @!p0 $0x1C01  }
0x59: {  	[timem:s3], [sflag:s2] =	dma.local @!p0 [hbm:s0], s1  }
0x5a: {  	s0 =	simm.s32 @!p0 $0x1  }
0x5b: {  	_ =	swait.ge @!p0 [sflag:s0], s1  }
0x5c: {  	s1 =	ssub.s32 @!p0 $0x0, s1;
	[sflag:s0] =	ssyncset.done @!p0 $0x0  }
0x5d: {  	[sflag:s0] =	ssyncadd.s32 @!p0 s1  }
0x5e: {  	[bflag:$0x3] =	sbarrier.arrive $0xFFFF  }
0x5f: {  	_ =	shalt  }

</sc_bundles>
